<compile_context>
chip_gen: v7x
topology: tpu7x:2x2x1
jax: 0.10.2.dev20260603
libtpu: 0.0.44.dev20260713+nightly
codegen_flags: <defaults>
</compile_context>

<pallas_src>
import functools

import jax
import jax.numpy as jnp
import numpy as np
from jax import lax
from jax.experimental import pallas as pl
from jax.experimental.pallas import tpu as pltpu
from jax.experimental.pallas import tpu_sc as plsc

B = 16384
V = 1000000
NF = 64
NH = NF // 2
NC = 2
NS = 16
NW = NC * NS
BPW = B // NW
CH = BPW // 2

PC = 8192
PGRID = (V + PC - 1) // PC


def _pack_body(gu_ref, mu_ref, gi_ref, mi_ref, p_ref, o_ref, xcat):
    xcat[0:NF] = gu_ref[...].astype(jnp.bfloat16)
    xcat[NF:96] = mu_ref[...].astype(jnp.bfloat16)
    xcat[96:160] = gi_ref[...].astype(jnp.bfloat16)
    xcat[160:192] = mi_ref[...].astype(jnp.bfloat16)
    lohi = lax.dot_general(xcat[...], p_ref[...], (((0,), (0,)), ((), ())),
                           preferred_element_type=jnp.float32)
    ul = lax.bitcast_convert_type(lohi[:, 0:128], jnp.uint32) >> 16
    uh = (lax.bitcast_convert_type(lohi[:, 128:256], jnp.uint32) >> 16) << 16
    o_ref[...] = lax.bitcast_convert_type(ul | uh, jnp.float32)


def _placements():
    p = np.zeros((192, 256), np.float32)
    a16, a32 = np.arange(16), np.arange(32)
    p[a32, a32] = 1
    p[32 + a32, 128 + a32] = 1
    p[64 + a16, 32 + a16] = 1
    p[80 + a16, 128 + 32 + a16] = 1
    p[96 + a32, 48 + a32] = 1
    p[128 + a32, 128 + 48 + a32] = 1
    p[160 + a16, 80 + a16] = 1
    p[176 + a16, 128 + 80 + a16] = 1
    return jnp.asarray(p, jnp.bfloat16)


def _pack(gut, mut, git, mit, placements):
    return pl.pallas_call(
        _pack_body,
        grid=(PGRID,),
        in_specs=[
            pl.BlockSpec((NF, PC), lambda i: (0, i)),
            pl.BlockSpec((NH, PC), lambda i: (0, i)),
            pl.BlockSpec((NF, PC), lambda i: (0, i)),
            pl.BlockSpec((NH, PC), lambda i: (0, i)),
            pl.BlockSpec((192, 256), lambda i: (0, 0)),
        ],
        out_specs=pl.BlockSpec((PC, 128), lambda i: (i, 0)),
        out_shape=jax.ShapeDtypeStruct((V, 128), jnp.float32),
        scratch_shapes=[pltpu.VMEM((192, PC), jnp.bfloat16)],
        compiler_params=pltpu.CompilerParams(
            dimension_semantics=("parallel",),
            fuse_transposed_lhs_in_matmul=True),
    )(gut, mut, git, mit, placements)


def _sc_gather(ids, tab):
    mesh = plsc.VectorSubcoreMesh(core_axis_name="c", subcore_axis_name="s")

    @functools.partial(
        pl.kernel,
        mesh=mesh,
        out_type=jax.ShapeDtypeStruct((B, 128), jnp.float32),
        scratch_types=[
            pltpu.VMEM((CH,), jnp.int32),
            pltpu.VMEM((CH,), jnp.int32),
            pltpu.VMEM((CH, 128), jnp.float32),
            pltpu.VMEM((CH, 128), jnp.float32),
            pltpu.SemaphoreType.DMA,
            pltpu.SemaphoreType.DMA,
        ],
    )
    def k(ids_hbm, tab_hbm, T, idx0, idx1, buf0, buf1, gsem, wsem):
        wid = lax.axis_index("s") * NC + lax.axis_index("c")
        base = wid * BPW
        pltpu.sync_copy(ids_hbm.at[pl.ds(base, CH)], idx0)
        pltpu.sync_copy(ids_hbm.at[pl.ds(base + CH, CH)], idx1)
        c1 = pltpu.async_copy(tab_hbm.at[idx0], buf0, gsem)
        c2 = pltpu.async_copy(tab_hbm.at[idx1], buf1, gsem)
        c1.wait()
        c2.wait()
        w1 = pltpu.async_copy(buf0, T.at[pl.ds(base, CH)], wsem)
        w2 = pltpu.async_copy(buf1, T.at[pl.ds(base + CH, CH)], wsem)
        w1.wait()
        w2.wait()

    return k(ids, tab)


def _unpack(words):
    u = lax.bitcast_convert_type(words, jnp.uint32)
    lo = lax.bitcast_convert_type(u << 16, jnp.float32)
    hi = lax.bitcast_convert_type((u >> 16) << 16, jnp.float32)
    return lo, hi


def _dense_body(tu_ref, ti_ref, w1ul, w1uh, w1il, w1ih, b1, w2, b2, w3, scal,
                o_ref):
    tu = tu_ref[...]
    ti = ti_ref[...]
    gul, guh = _unpack(tu[:, 0:32])
    gil, gih = _unpack(ti[:, 48:80])
    mul, muh = _unpack(tu[:, 32:48])
    mil, mih = _unpack(ti[:, 80:96])
    g = jnp.maximum(
        jnp.sum(gul * gil + guh * gih, axis=1, keepdims=True), 0.0)
    h = jnp.dot(mul, w1ul[...], preferred_element_type=jnp.float32)
    h = h + jnp.dot(muh, w1uh[...], preferred_element_type=jnp.float32)
    h = h + jnp.dot(mil, w1il[...], preferred_element_type=jnp.float32)
    h = h + jnp.dot(mih, w1ih[...], preferred_element_type=jnp.float32)
    h = jnp.maximum(h + b1[...], 0.0)
    h = jnp.maximum(
        jnp.dot(h, w2[...], preferred_element_type=jnp.float32) + b2[...], 0.0)
    m = jax.nn.sigmoid(jnp.sum(h * w3[...], axis=1, keepdims=True)
                       + scal[:, 0:1])
    o_ref[...] = jax.nn.sigmoid(
        g * scal[:, 1:2] + m * scal[:, 2:3] + scal[:, 3:4])


BB = 2048


def _dense(tu, ti, w1ul, w1uh, w1il, w1ih, b1, w2, b2, w3, scal):
    return pl.pallas_call(
        _dense_body,
        grid=(B // BB,),
        in_specs=[
            pl.BlockSpec((BB, 128), lambda i: (i, 0)),
            pl.BlockSpec((BB, 128), lambda i: (i, 0)),
            pl.BlockSpec((16, NF), lambda i: (0, 0)),
            pl.BlockSpec((16, NF), lambda i: (0, 0)),
            pl.BlockSpec((16, NF), lambda i: (0, 0)),
            pl.BlockSpec((16, NF), lambda i: (0, 0)),
            pl.BlockSpec((1, NF), lambda i: (0, 0)),
            pl.BlockSpec((NF, NF), lambda i: (0, 0)),
            pl.BlockSpec((1, NF), lambda i: (0, 0)),
            pl.BlockSpec((1, NF), lambda i: (0, 0)),
            pl.BlockSpec((1, 4), lambda i: (0, 0)),
        ],
        out_specs=pl.BlockSpec((BB, 1), lambda i: (i, 0)),
        out_shape=jax.ShapeDtypeStruct((B, 1), jnp.float32),
        compiler_params=pltpu.CompilerParams(
            dimension_semantics=("parallel",)),
    )(tu, ti, w1ul, w1uh, w1il, w1ih, b1, w2, b2, w3, scal)


def kernel(user_ids, item_ids, gmf_user_w, gmf_item_w, mlp_user_w, mlp_item_w,
           fc1_w, fc1_b, fc2_w, fc2_b, mlp_out_w, mlp_out_b, final_w, final_b):
    uid = user_ids.astype(jnp.int32)
    iid = item_ids.astype(jnp.int32)
    tab = _pack(gmf_user_w.T, mlp_user_w.T, gmf_item_w.T, mlp_item_w.T,
                _placements())
    TU = _sc_gather(uid, tab)
    TI = _sc_gather(iid, tab)
    w1u = fc1_w[:, :NH].T
    w1i = fc1_w[:, NH:].T
    w1ul = w1u[0:16]
    w1uh = w1u[16:32]
    w1il = w1i[0:16]
    w1ih = w1i[16:32]
    w2 = fc2_w.T
    b1 = fc1_b.reshape(1, NF)
    b2 = fc2_b.reshape(1, NF)
    w3 = mlp_out_w.reshape(1, NF)
    scal = jnp.concatenate(
        [mlp_out_b.reshape(1, 1), final_w.reshape(1, 2),
         final_b.reshape(1, 1)], axis=1)
    return _dense(TU, TI, w1ul, w1uh, w1il, w1ih, b1, w2, b2, w3, scal)

# --- scband reference (transcript-rebuilt; emitter-appended) ---
"""Pipeline reference for scband-neu-mf-49804440764564 (READ-ONLY COPY).

The authoritative reference and input builder live on the scoring server;
editing this copy changes nothing except your own understanding.
"""

import jax, jax.numpy as jnp
import numpy as np

NUM_USERS = 1000000
NUM_ITEMS = 1000000
NF = 64
B = 16384


def setup_inputs(seed: int = 0) -> dict:
    key = jax.random.key(seed)
    ks = jax.random.split(key, 14)
    user_ids = jax.random.randint(ks[0], (B,), 0, NUM_USERS, dtype=jnp.int64 if jax.config.jax_enable_x64 else jnp.int32)
    item_ids = jax.random.randint(ks[1], (B,), 0, NUM_ITEMS, dtype=jnp.int64 if jax.config.jax_enable_x64 else jnp.int32)
    gmf_user_w = jax.random.normal(ks[2], (NUM_USERS, NF), dtype=jnp.float32) * 0.01
    gmf_item_w = jax.random.normal(ks[3], (NUM_ITEMS, NF), dtype=jnp.float32) * 0.01
    mlp_user_w = jax.random.normal(ks[4], (NUM_USERS, NF // 2), dtype=jnp.float32) * 0.01
    mlp_item_w = jax.random.normal(ks[5], (NUM_ITEMS, NF // 2), dtype=jnp.float32) * 0.01
    fc1_w = jax.random.normal(ks[6], (NF, NF), dtype=jnp.float32) * 0.05
    fc1_b = jnp.zeros((NF,), dtype=jnp.float32)
    fc2_w = jax.random.normal(ks[7], (NF, NF), dtype=jnp.float32) * 0.05
    fc2_b = jnp.zeros((NF,), dtype=jnp.float32)
    mlp_out_w = jax.random.normal(ks[8], (1, NF), dtype=jnp.float32) * 0.05
    mlp_out_b = jnp.zeros((1,), dtype=jnp.float32)
    final_w = jax.random.normal(ks[9], (1, 2), dtype=jnp.float32) * 0.05
    final_b = jnp.zeros((1,), dtype=jnp.float32)
    return {
        "user_ids": user_ids,
        "item_ids": item_ids,
        "gmf_user_w": gmf_user_w,
        "gmf_item_w": gmf_item_w,
        "mlp_user_w": mlp_user_w,
        "mlp_item_w": mlp_item_w,
        "fc1_w": fc1_w,
        "fc1_b": fc1_b,
        "fc2_w": fc2_w,
        "fc2_b": fc2_b,
        "mlp_out_w": mlp_out_w,
        "mlp_out_b": mlp_out_b,
        "final_w": final_w,
        "final_b": final_b,
    }


def reference(user_ids, item_ids, gmf_user_w, gmf_item_w, mlp_user_w, mlp_item_w,
              fc1_w, fc1_b, fc2_w, fc2_b, mlp_out_w, mlp_out_b, final_w, final_b):
    # GMF branch
    ue = jnp.take(gmf_user_w, user_ids, axis=0)
    ie = jnp.take(gmf_item_w, item_ids, axis=0)
    gmf_out = jax.nn.relu(jnp.sum(ue * ie, axis=1))  # [B]
    # MLP branch
    um = jnp.take(mlp_user_w, user_ids, axis=0)
    im = jnp.take(mlp_item_w, item_ids, axis=0)
    vector = jnp.concatenate([um, im], axis=-1)  # [B, NF]
    vector = jax.nn.relu(vector @ fc1_w.T + fc1_b)
    vector = jax.nn.relu(vector @ fc2_w.T + fc2_b)
    mlp_out = jax.nn.sigmoid(vector @ mlp_out_w.T + mlp_out_b)  # [B, 1]
    # Fusion
    cat = jnp.concatenate([gmf_out[:, None], mlp_out], axis=-1)  # [B, 2]
    out = jax.nn.sigmoid(cat @ final_w.T + final_b)  # [B, 1]
    return out

if __name__ == "__main__":
    import jax
    _d = setup_inputs()
    print(jax.jit(kernel)(*tuple(_d.values())))

</pallas_src>

<mosaic_0001>
#map = affine_map<(d0, d1) -> (0)>
#map1 = affine_map<(d0, d1) -> (0, 0)>
module attributes {stable_mosaic.version = 14 : i64} {
  func.func @k(%arg0: i32, %arg1: i32, %arg2: memref<16384xi32, #tpu.memory_space<hbm>>, %arg3: memref<1000000x128xf32, #tpu.memory_space<hbm>>, %arg4: memref<16384x128xf32, #tpu.memory_space<hbm>>, %arg5: memref<256xi32, #tpu.memory_space<vmem>>, %arg6: memref<256xi32, #tpu.memory_space<vmem>>, %arg7: memref<256x128xf32, #tpu.memory_space<vmem>>, %arg8: memref<256x128xf32, #tpu.memory_space<vmem>>, %arg9: memref<!tpu.dma_semaphore, #tpu.memory_space<semaphore_mem>>, %arg10: memref<!tpu.dma_semaphore, #tpu.memory_space<semaphore_mem>>) attributes {dimension_semantics = [#tpu.dimension_semantics<core_parallel>, #tpu.dimension_semantics<subcore_parallel>], iteration_bounds = array<i64: 2, 16>, scalar_prefetch = 0 : i64, scratch_operands = 6 : i64, tpu.core_type = #tpu.core_type<sc_vector_subcore>, window_params = [{transform_indices = #map}, {transform_indices = #map1}, {transform_indices = #map1}]} {
    %mul3A = arith.constant 2 : i32
    %mul3A_0 = arith.muli %arg1, %mul3A : i32
    %add3A = arith.addi %mul3A_0, %arg0 : i32
    %mul3A_1 = arith.constant 512 : i32
    %mul3A_2 = arith.muli %add3A, %mul3A_1 : i32
    "tpu.region"() ({
      %run_scoped3A = tpu.sem_alloc : memref<!tpu.dma_semaphore, #tpu.memory_space<semaphore_mem>>
      %dma_start3A_33 = tpu.memref_slice %arg2[%mul3A_2] : memref<16384xi32, #tpu.memory_space<hbm>> -> memref<256xi32, #tpu.memory_space<hbm>>
      %dma_start3A_34 = tpu.memref_slice %arg2[%mul3A_2] : memref<16384xi32, #tpu.memory_space<hbm>> -> memref<256xi32, #tpu.memory_space<hbm>>
      tpu.enqueue_dma source(%dma_start3A_34 : memref<256xi32, #tpu.memory_space<hbm>>) target(%arg5 : memref<256xi32, #tpu.memory_space<vmem>>) target_semaphore(%run_scoped3A : memref<!tpu.dma_semaphore, #tpu.memory_space<semaphore_mem>>)
      %dma_wait3A_35 = tpu.memref_slice %arg2[%mul3A_2] : memref<16384xi32, #tpu.memory_space<hbm>> -> memref<256xi32, #tpu.memory_space<hbm>>
      %dma_wait3A_36 = tpu.memref_slice %arg2[%mul3A_2] : memref<16384xi32, #tpu.memory_space<hbm>> -> memref<256xi32, #tpu.memory_space<hbm>>
      tpu.wait_dma2 semaphore(%run_scoped3A : memref<!tpu.dma_semaphore, #tpu.memory_space<semaphore_mem>>) src(%dma_wait3A_36 : memref<256xi32, #tpu.memory_space<hbm>>) dst(%arg5 : memref<256xi32, #tpu.memory_space<vmem>>)
      tpu.yield
    }) : () -> ()
    %add3A_3 = arith.constant 256 : i32
    %add3A_4 = arith.addi %mul3A_2, %add3A_3 : i32
    "tpu.region"() ({
      %run_scoped3A = tpu.sem_alloc : memref<!tpu.dma_semaphore, #tpu.memory_space<semaphore_mem>>
      %dma_start3A_33 = tpu.memref_slice %arg2[%add3A_4] : memref<16384xi32, #tpu.memory_space<hbm>> -> memref<256xi32, #tpu.memory_space<hbm>>
      %dma_start3A_34 = tpu.memref_slice %arg2[%add3A_4] : memref<16384xi32, #tpu.memory_space<hbm>> -> memref<256xi32, #tpu.memory_space<hbm>>
      tpu.enqueue_dma source(%dma_start3A_34 : memref<256xi32, #tpu.memory_space<hbm>>) target(%arg6 : memref<256xi32, #tpu.memory_space<vmem>>) target_semaphore(%run_scoped3A : memref<!tpu.dma_semaphore, #tpu.memory_space<semaphore_mem>>)
      %dma_wait3A_35 = tpu.memref_slice %arg2[%add3A_4] : memref<16384xi32, #tpu.memory_space<hbm>> -> memref<256xi32, #tpu.memory_space<hbm>>
      %dma_wait3A_36 = tpu.memref_slice %arg2[%add3A_4] : memref<16384xi32, #tpu.memory_space<hbm>> -> memref<256xi32, #tpu.memory_space<hbm>>
      tpu.wait_dma2 semaphore(%run_scoped3A : memref<!tpu.dma_semaphore, #tpu.memory_space<semaphore_mem>>) src(%dma_wait3A_36 : memref<256xi32, #tpu.memory_space<hbm>>) dst(%arg6 : memref<256xi32, #tpu.memory_space<vmem>>)
      tpu.yield
    }) : () -> ()
    %dma_start3A = arith.constant 0 : i32
    %dma_start3A_5 = arith.constant 0 : i32
    %dma_start3A_6 = tpu.memref_slice %arg3[%dma_start3A, %dma_start3A_5] : memref<1000000x128xf32, #tpu.memory_space<hbm>> -> memref<1000000x128xf32, #tpu.memory_space<hbm>>
    tpu.enqueue_indirect_dma source(%dma_start3A_6 : memref<1000000x128xf32, #tpu.memory_space<hbm>>) target(%arg7 : memref<256x128xf32, #tpu.memory_space<vmem>>) offsets(%arg5 : memref<256xi32, #tpu.memory_space<vmem>>) semaphore(%arg9 : memref<!tpu.dma_semaphore, #tpu.memory_space<semaphore_mem>>)
    %dma_start3A_7 = arith.constant 0 : i32
    %dma_start3A_8 = arith.constant 0 : i32
    %dma_start3A_9 = tpu.memref_slice %arg3[%dma_start3A_7, %dma_start3A_8] : memref<1000000x128xf32, #tpu.memory_space<hbm>> -> memref<1000000x128xf32, #tpu.memory_space<hbm>>
    tpu.enqueue_indirect_dma source(%dma_start3A_9 : memref<1000000x128xf32, #tpu.memory_space<hbm>>) target(%arg8 : memref<256x128xf32, #tpu.memory_space<vmem>>) offsets(%arg6 : memref<256xi32, #tpu.memory_space<vmem>>) semaphore(%arg9 : memref<!tpu.dma_semaphore, #tpu.memory_space<semaphore_mem>>)
    %dma_wait3A = arith.constant 0 : i32
    %dma_wait3A_10 = arith.constant 0 : i32
    %dma_wait3A_11 = tpu.memref_slice %arg3[%dma_wait3A, %dma_wait3A_10] : memref<1000000x128xf32, #tpu.memory_space<hbm>> -> memref<1000000x128xf32, #tpu.memory_space<hbm>>
    tpu.wait_indirect_dma semaphore(%arg9 : memref<!tpu.dma_semaphore, #tpu.memory_space<semaphore_mem>>) src(%dma_wait3A_11 : memref<1000000x128xf32, #tpu.memory_space<hbm>>) dst(%arg7 : memref<256x128xf32, #tpu.memory_space<vmem>>)
    %dma_wait3A_12 = arith.constant 0 : i32
    %dma_wait3A_13 = arith.constant 0 : i32
    %dma_wait3A_14 = tpu.memref_slice %arg3[%dma_wait3A_12, %dma_wait3A_13] : memref<1000000x128xf32, #tpu.memory_space<hbm>> -> memref<1000000x128xf32, #tpu.memory_space<hbm>>
    tpu.wait_indirect_dma semaphore(%arg9 : memref<!tpu.dma_semaphore, #tpu.memory_space<semaphore_mem>>) src(%dma_wait3A_14 : memref<1000000x128xf32, #tpu.memory_space<hbm>>) dst(%arg8 : memref<256x128xf32, #tpu.memory_space<vmem>>)
    %dma_start3A_15 = arith.constant 0 : i32
    %dma_start3A_16 = tpu.memref_slice %arg4[%mul3A_2, %dma_start3A_15] : memref<16384x128xf32, #tpu.memory_space<hbm>> -> memref<256x128xf32, #tpu.memory_space<hbm>>
    %dma_start3A_17 = arith.constant 0 : i32
    %dma_start3A_18 = tpu.memref_slice %arg4[%mul3A_2, %dma_start3A_17] : memref<16384x128xf32, #tpu.memory_space<hbm>> -> memref<256x128xf32, #tpu.memory_space<hbm>>
    tpu.enqueue_dma source(%arg7 : memref<256x128xf32, #tpu.memory_space<vmem>>) target(%dma_start3A_18 : memref<256x128xf32, #tpu.memory_space<hbm>>) target_semaphore(%arg10 : memref<!tpu.dma_semaphore, #tpu.memory_space<semaphore_mem>>)
    %add3A_19 = arith.constant 256 : i32
    %add3A_20 = arith.addi %mul3A_2, %add3A_19 : i32
    %dma_start3A_21 = arith.constant 0 : i32
    %dma_start3A_22 = tpu.memref_slice %arg4[%add3A_20, %dma_start3A_21] : memref<16384x128xf32, #tpu.memory_space<hbm>> -> memref<256x128xf32, #tpu.memory_space<hbm>>
    %dma_start3A_23 = arith.constant 0 : i32
    %dma_start3A_24 = tpu.memref_slice %arg4[%add3A_20, %dma_start3A_23] : memref<16384x128xf32, #tpu.memory_space<hbm>> -> memref<256x128xf32, #tpu.memory_space<hbm>>
    tpu.enqueue_dma source(%arg8 : memref<256x128xf32, #tpu.memory_space<vmem>>) target(%dma_start3A_24 : memref<256x128xf32, #tpu.memory_space<hbm>>) target_semaphore(%arg10 : memref<!tpu.dma_semaphore, #tpu.memory_space<semaphore_mem>>)
    %dma_wait3A_25 = arith.constant 0 : i32
    %dma_wait3A_26 = tpu.memref_slice %arg4[%mul3A_2, %dma_wait3A_25] : memref<16384x128xf32, #tpu.memory_space<hbm>> -> memref<256x128xf32, #tpu.memory_space<hbm>>
    %dma_wait3A_27 = arith.constant 0 : i32
    %dma_wait3A_28 = tpu.memref_slice %arg4[%mul3A_2, %dma_wait3A_27] : memref<16384x128xf32, #tpu.memory_space<hbm>> -> memref<256x128xf32, #tpu.memory_space<hbm>>
    tpu.wait_dma2 semaphore(%arg10 : memref<!tpu.dma_semaphore, #tpu.memory_space<semaphore_mem>>) src(%arg7 : memref<256x128xf32, #tpu.memory_space<vmem>>) dst(%dma_wait3A_28 : memref<256x128xf32, #tpu.memory_space<hbm>>)
    %dma_wait3A_29 = arith.constant 0 : i32
    %dma_wait3A_30 = tpu.memref_slice %arg4[%add3A_20, %dma_wait3A_29] : memref<16384x128xf32, #tpu.memory_space<hbm>> -> memref<256x128xf32, #tpu.memory_space<hbm>>
    %dma_wait3A_31 = arith.constant 0 : i32
    %dma_wait3A_32 = tpu.memref_slice %arg4[%add3A_20, %dma_wait3A_31] : memref<16384x128xf32, #tpu.memory_space<hbm>> -> memref<256x128xf32, #tpu.memory_space<hbm>>
    tpu.wait_dma2 semaphore(%arg10 : memref<!tpu.dma_semaphore, #tpu.memory_space<semaphore_mem>>) src(%arg8 : memref<256x128xf32, #tpu.memory_space<vmem>>) dst(%dma_wait3A_32 : memref<256x128xf32, #tpu.memory_space<hbm>>)
    return
  }
}

#map = affine_map<(d0, d1) -> (0)>
#map1 = affine_map<(d0, d1) -> (0, 0)>
module attributes {stable_mosaic.version = 14 : i64} {
  func.func @k(%arg0: i32, %arg1: i32, %arg2: memref<16384xi32, #tpu.memory_space<hbm>>, %arg3: memref<1000000x128xf32, #tpu.memory_space<hbm>>, %arg4: memref<16384x128xf32, #tpu.memory_space<hbm>>, %arg5: memref<256xi32, #tpu.memory_space<vmem>>, %arg6: memref<256xi32, #tpu.memory_space<vmem>>, %arg7: memref<256x128xf32, #tpu.memory_space<vmem>>, %arg8: memref<256x128xf32, #tpu.memory_space<vmem>>, %arg9: memref<!tpu.dma_semaphore, #tpu.memory_space<semaphore_mem>>, %arg10: memref<!tpu.dma_semaphore, #tpu.memory_space<semaphore_mem>>) attributes {dimension_semantics = [#tpu.dimension_semantics<core_parallel>, #tpu.dimension_semantics<subcore_parallel>], iteration_bounds = array<i64: 2, 16>, scalar_prefetch = 0 : i64, scratch_operands = 6 : i64, tpu.core_type = #tpu.core_type<sc_vector_subcore>, window_params = [{transform_indices = #map}, {transform_indices = #map1}, {transform_indices = #map1}]} {
    %mul3A = arith.constant 2 : i32
    %mul3A_0 = arith.muli %arg1, %mul3A : i32
    %add3A = arith.addi %mul3A_0, %arg0 : i32
    %mul3A_1 = arith.constant 512 : i32
    %mul3A_2 = arith.muli %add3A, %mul3A_1 : i32
    "tpu.region"() ({
      %run_scoped3A = tpu.sem_alloc : memref<!tpu.dma_semaphore, #tpu.memory_space<semaphore_mem>>
      %dma_start3A_33 = tpu.memref_slice %arg2[%mul3A_2] : memref<16384xi32, #tpu.memory_space<hbm>> -> memref<256xi32, #tpu.memory_space<hbm>>
      %dma_start3A_34 = tpu.memref_slice %arg2[%mul3A_2] : memref<16384xi32, #tpu.memory_space<hbm>> -> memref<256xi32, #tpu.memory_space<hbm>>
      tpu.enqueue_dma source(%dma_start3A_34 : memref<256xi32, #tpu.memory_space<hbm>>) target(%arg5 : memref<256xi32, #tpu.memory_space<vmem>>) target_semaphore(%run_scoped3A : memref<!tpu.dma_semaphore, #tpu.memory_space<semaphore_mem>>)
      %dma_wait3A_35 = tpu.memref_slice %arg2[%mul3A_2] : memref<16384xi32, #tpu.memory_space<hbm>> -> memref<256xi32, #tpu.memory_space<hbm>>
      %dma_wait3A_36 = tpu.memref_slice %arg2[%mul3A_2] : memref<16384xi32, #tpu.memory_space<hbm>> -> memref<256xi32, #tpu.memory_space<hbm>>
      tpu.wait_dma2 semaphore(%run_scoped3A : memref<!tpu.dma_semaphore, #tpu.memory_space<semaphore_mem>>) src(%dma_wait3A_36 : memref<256xi32, #tpu.memory_space<hbm>>) dst(%arg5 : memref<256xi32, #tpu.memory_space<vmem>>)
      tpu.yield
    }) : () -> ()
    %add3A_3 = arith.constant 256 : i32
    %add3A_4 = arith.addi %mul3A_2, %add3A_3 : i32
    "tpu.region"() ({
      %run_scoped3A = tpu.sem_alloc : memref<!tpu.dma_semaphore, #tpu.memory_space<semaphore_mem>>
      %dma_start3A_33 = tpu.memref_slice %arg2[%add3A_4] : memref<16384xi32, #tpu.memory_space<hbm>> -> memref<256xi32, #tpu.memory_space<hbm>>
      %dma_start3A_34 = tpu.memref_slice %arg2[%add3A_4] : memref<16384xi32, #tpu.memory_space<hbm>> -> memref<256xi32, #tpu.memory_space<hbm>>
      tpu.enqueue_dma source(%dma_start3A_34 : memref<256xi32, #tpu.memory_space<hbm>>) target(%arg6 : memref<256xi32, #tpu.memory_space<vmem>>) target_semaphore(%run_scoped3A : memref<!tpu.dma_semaphore, #tpu.memory_space<semaphore_mem>>)
      %dma_wait3A_35 = tpu.memref_slice %arg2[%add3A_4] : memref<16384xi32, #tpu.memory_space<hbm>> -> memref<256xi32, #tpu.memory_space<hbm>>
      %dma_wait3A_36 = tpu.memref_slice %arg2[%add3A_4] : memref<16384xi32, #tpu.memory_space<hbm>> -> memref<256xi32, #tpu.memory_space<hbm>>
      tpu.wait_dma2 semaphore(%run_scoped3A : memref<!tpu.dma_semaphore, #tpu.memory_space<semaphore_mem>>) src(%dma_wait3A_36 : memref<256xi32, #tpu.memory_space<hbm>>) dst(%arg6 : memref<256xi32, #tpu.memory_space<vmem>>)
      tpu.yield
    }) : () -> ()
    %dma_start3A = arith.constant 0 : i32
    %dma_start3A_5 = arith.constant 0 : i32
    %dma_start3A_6 = tpu.memref_slice %arg3[%dma_start3A, %dma_start3A_5] : memref<1000000x128xf32, #tpu.memory_space<hbm>> -> memref<1000000x128xf32, #tpu.memory_space<hbm>>
    tpu.enqueue_indirect_dma source(%dma_start3A_6 : memref<1000000x128xf32, #tpu.memory_space<hbm>>) target(%arg7 : memref<256x128xf32, #tpu.memory_space<vmem>>) offsets(%arg5 : memref<256xi32, #tpu.memory_space<vmem>>) semaphore(%arg9 : memref<!tpu.dma_semaphore, #tpu.memory_space<semaphore_mem>>)
    %dma_start3A_7 = arith.constant 0 : i32
    %dma_start3A_8 = arith.constant 0 : i32
    %dma_start3A_9 = tpu.memref_slice %arg3[%dma_start3A_7, %dma_start3A_8] : memref<1000000x128xf32, #tpu.memory_space<hbm>> -> memref<1000000x128xf32, #tpu.memory_space<hbm>>
    tpu.enqueue_indirect_dma source(%dma_start3A_9 : memref<1000000x128xf32, #tpu.memory_space<hbm>>) target(%arg8 : memref<256x128xf32, #tpu.memory_space<vmem>>) offsets(%arg6 : memref<256xi32, #tpu.memory_space<vmem>>) semaphore(%arg9 : memref<!tpu.dma_semaphore, #tpu.memory_space<semaphore_mem>>)
    %dma_wait3A = arith.constant 0 : i32
    %dma_wait3A_10 = arith.constant 0 : i32
    %dma_wait3A_11 = tpu.memref_slice %arg3[%dma_wait3A, %dma_wait3A_10] : memref<1000000x128xf32, #tpu.memory_space<hbm>> -> memref<1000000x128xf32, #tpu.memory_space<hbm>>
    tpu.wait_indirect_dma semaphore(%arg9 : memref<!tpu.dma_semaphore, #tpu.memory_space<semaphore_mem>>) src(%dma_wait3A_11 : memref<1000000x128xf32, #tpu.memory_space<hbm>>) dst(%arg7 : memref<256x128xf32, #tpu.memory_space<vmem>>)
    %dma_wait3A_12 = arith.constant 0 : i32
    %dma_wait3A_13 = arith.constant 0 : i32
    %dma_wait3A_14 = tpu.memref_slice %arg3[%dma_wait3A_12, %dma_wait3A_13] : memref<1000000x128xf32, #tpu.memory_space<hbm>> -> memref<1000000x128xf32, #tpu.memory_space<hbm>>
    tpu.wait_indirect_dma semaphore(%arg9 : memref<!tpu.dma_semaphore, #tpu.memory_space<semaphore_mem>>) src(%dma_wait3A_14 : memref<1000000x128xf32, #tpu.memory_space<hbm>>) dst(%arg8 : memref<256x128xf32, #tpu.memory_space<vmem>>)
    %dma_start3A_15 = arith.constant 0 : i32
    %dma_start3A_16 = tpu.memref_slice %arg4[%mul3A_2, %dma_start3A_15] : memref<16384x128xf32, #tpu.memory_space<hbm>> -> memref<256x128xf32, #tpu.memory_space<hbm>>
    %dma_start3A_17 = arith.constant 0 : i32
    %dma_start3A_18 = tpu.memref_slice %arg4[%mul3A_2, %dma_start3A_17] : memref<16384x128xf32, #tpu.memory_space<hbm>> -> memref<256x128xf32, #tpu.memory_space<hbm>>
    tpu.enqueue_dma source(%arg7 : memref<256x128xf32, #tpu.memory_space<vmem>>) target(%dma_start3A_18 : memref<256x128xf32, #tpu.memory_space<hbm>>) target_semaphore(%arg10 : memref<!tpu.dma_semaphore, #tpu.memory_space<semaphore_mem>>)
    %add3A_19 = arith.constant 256 : i32
    %add3A_20 = arith.addi %mul3A_2, %add3A_19 : i32
    %dma_start3A_21 = arith.constant 0 : i32
    %dma_start3A_22 = tpu.memref_slice %arg4[%add3A_20, %dma_start3A_21] : memref<16384x128xf32, #tpu.memory_space<hbm>> -> memref<256x128xf32, #tpu.memory_space<hbm>>
    %dma_start3A_23 = arith.constant 0 : i32
    %dma_start3A_24 = tpu.memref_slice %arg4[%add3A_20, %dma_start3A_23] : memref<16384x128xf32, #tpu.memory_space<hbm>> -> memref<256x128xf32, #tpu.memory_space<hbm>>
    tpu.enqueue_dma source(%arg8 : memref<256x128xf32, #tpu.memory_space<vmem>>) target(%dma_start3A_24 : memref<256x128xf32, #tpu.memory_space<hbm>>) target_semaphore(%arg10 : memref<!tpu.dma_semaphore, #tpu.memory_space<semaphore_mem>>)
    %dma_wait3A_25 = arith.constant 0 : i32
    %dma_wait3A_26 = tpu.memref_slice %arg4[%mul3A_2, %dma_wait3A_25] : memref<16384x128xf32, #tpu.memory_space<hbm>> -> memref<256x128xf32, #tpu.memory_space<hbm>>
    %dma_wait3A_27 = arith.constant 0 : i32
    %dma_wait3A_28 = tpu.memref_slice %arg4[%mul3A_2, %dma_wait3A_27] : memref<16384x128xf32, #tpu.memory_space<hbm>> -> memref<256x128xf32, #tpu.memory_space<hbm>>
    tpu.wait_dma2 semaphore(%arg10 : memref<!tpu.dma_semaphore, #tpu.memory_space<semaphore_mem>>) src(%arg7 : memref<256x128xf32, #tpu.memory_space<vmem>>) dst(%dma_wait3A_28 : memref<256x128xf32, #tpu.memory_space<hbm>>)
    %dma_wait3A_29 = arith.constant 0 : i32
    %dma_wait3A_30 = tpu.memref_slice %arg4[%add3A_20, %dma_wait3A_29] : memref<16384x128xf32, #tpu.memory_space<hbm>> -> memref<256x128xf32, #tpu.memory_space<hbm>>
    %dma_wait3A_31 = arith.constant 0 : i32
    %dma_wait3A_32 = tpu.memref_slice %arg4[%add3A_20, %dma_wait3A_31] : memref<16384x128xf32, #tpu.memory_space<hbm>> -> memref<256x128xf32, #tpu.memory_space<hbm>>
    tpu.wait_dma2 semaphore(%arg10 : memref<!tpu.dma_semaphore, #tpu.memory_space<semaphore_mem>>) src(%arg8 : memref<256x128xf32, #tpu.memory_space<vmem>>) dst(%dma_wait3A_32 : memref<256x128xf32, #tpu.memory_space<hbm>>)
    return
  }
}

module attributes {stable_mosaic.version = 14 : i64} {
  func.func @_pack_body(%arg0: i32, %arg1: memref<64x8192xf32, #tpu.memory_space<vmem>>, %arg2: memref<32x8192xf32, #tpu.memory_space<vmem>>, %arg3: memref<64x8192xf32, #tpu.memory_space<vmem>>, %arg4: memref<32x8192xf32, #tpu.memory_space<vmem>>, %arg5: memref<192x256xbf16, #tpu.memory_space<vmem>>, %arg6: memref<8192x128xf32, #tpu.memory_space<vmem>>, %arg7: memref<192x8192xbf16, #tpu.memory_space<vmem>>) attributes {dimension_semantics = [#tpu.dimension_semantics<parallel>], iteration_bounds = array<i64: 123>, scalar_prefetch = 0 : i64, scratch_operands = 1 : i64, tpu.core_type = #tpu.core_type<tc>, window_params = [{transform_indices = @transform_0, window_bounds = array<i64: 64, 8192>}, {transform_indices = @transform_1, window_bounds = array<i64: 32, 8192>}, {transform_indices = @transform_2, window_bounds = array<i64: 64, 8192>}, {transform_indices = @transform_3, window_bounds = array<i64: 32, 8192>}, {pipeline_mode = #tpu.pipeline_mode<synchronous>, transform_indices = @transform_4, window_bounds = array<i64: 192, 256>}, {transform_indices = @transform_5, window_bounds = array<i64: 8192, 128>}]} {
    %get3A = arith.constant 0 : index
    %get3A_0 = arith.constant 0 : index
    %get3A_1 = vector.load %arg1[%get3A, %get3A_0] : memref<64x8192xf32, #tpu.memory_space<vmem>>, vector<64x8192xf32>
    %convert_element_type3A = arith.truncf %get3A_1 : vector<64x8192xf32> to vector<64x8192xbf16>
    %swap3A = arith.constant 0 : index
    %swap3A_2 = arith.constant 0 : index
    %swap3A_3 = vector.load %arg7[%swap3A, %swap3A_2] : memref<192x8192xbf16, #tpu.memory_space<vmem>>, vector<64x8192xbf16>
    tpu.vector_store %arg7[%swap3A, %swap3A_2], %convert_element_type3A {strides = array<i32>} : memref<192x8192xbf16, #tpu.memory_space<vmem>>, vector<64x8192xbf16>,
    %get3A_4 = arith.constant 0 : index
    %get3A_5 = arith.constant 0 : index
    %get3A_6 = vector.load %arg2[%get3A_4, %get3A_5] : memref<32x8192xf32, #tpu.memory_space<vmem>>, vector<32x8192xf32>
    %convert_element_type3A_7 = arith.truncf %get3A_6 : vector<32x8192xf32> to vector<32x8192xbf16>
    %swap3A_8 = arith.constant 64 : index
    %swap3A_9 = arith.constant 0 : index
    %swap3A_10 = vector.load %arg7[%swap3A_8, %swap3A_9] : memref<192x8192xbf16, #tpu.memory_space<vmem>>, vector<32x8192xbf16>
    tpu.vector_store %arg7[%swap3A_8, %swap3A_9], %convert_element_type3A_7 {strides = array<i32>} : memref<192x8192xbf16, #tpu.memory_space<vmem>>, vector<32x8192xbf16>,
    %get3A_11 = arith.constant 0 : index
    %get3A_12 = arith.constant 0 : index
    %get3A_13 = vector.load %arg3[%get3A_11, %get3A_12] : memref<64x8192xf32, #tpu.memory_space<vmem>>, vector<64x8192xf32>
    %convert_element_type3A_14 = arith.truncf %get3A_13 : vector<64x8192xf32> to vector<64x8192xbf16>
    %swap3A_15 = arith.constant 96 : index
    %swap3A_16 = arith.constant 0 : index
    %swap3A_17 = vector.load %arg7[%swap3A_15, %swap3A_16] : memref<192x8192xbf16, #tpu.memory_space<vmem>>, vector<64x8192xbf16>
    tpu.vector_store %arg7[%swap3A_15, %swap3A_16], %convert_element_type3A_14 {strides = array<i32>} : memref<192x8192xbf16, #tpu.memory_space<vmem>>, vector<64x8192xbf16>,
    %get3A_18 = arith.constant 0 : index
    %get3A_19 = arith.constant 0 : index
    %get3A_20 = vector.load %arg4[%get3A_18, %get3A_19] : memref<32x8192xf32, #tpu.memory_space<vmem>>, vector<32x8192xf32>
    %convert_element_type3A_21 = arith.truncf %get3A_20 : vector<32x8192xf32> to vector<32x8192xbf16>
    %swap3A_22 = arith.constant 160 : index
    %swap3A_23 = arith.constant 0 : index
    %swap3A_24 = vector.load %arg7[%swap3A_22, %swap3A_23] : memref<192x8192xbf16, #tpu.memory_space<vmem>>, vector<32x8192xbf16>
    tpu.vector_store %arg7[%swap3A_22, %swap3A_23], %convert_element_type3A_21 {strides = array<i32>} : memref<192x8192xbf16, #tpu.memory_space<vmem>>, vector<32x8192xbf16>,
    %get3A_25 = arith.constant 0 : index
    %get3A_26 = arith.constant 0 : index
    %get3A_27 = vector.load %arg7[%get3A_25, %get3A_26] : memref<192x8192xbf16, #tpu.memory_space<vmem>>, vector<192x8192xbf16>
    %get3A_28 = arith.constant 0 : index
    %get3A_29 = arith.constant 0 : index
    %get3A_30 = vector.load %arg5[%get3A_28, %get3A_29] : memref<192x256xbf16, #tpu.memory_space<vmem>>, vector<192x256xbf16>
    %dot_general3A = arith.constant dense<0.000000e+00> : vector<8192x256xf32>
    %dot_general3A_31 = tpu.matmul %get3A_27, %get3A_30, %dot_general3A {dimension_numbers = #tpu.dot_dimension_numbers<[0], [0], [1], [1], [0, 1, 1, 1], [], []>, transpose_lhs_hint = true} : vector<192x8192xbf16>, vector<192x256xbf16>, vector<8192x256xf32> -> vector<8192x256xf32>
    %slice3A = vector.extract_strided_slice %dot_general3A_31 {offsets = [0, 0], sizes = [8192, 128], strides = [1, 1]} : vector<8192x256xf32> to vector<8192x128xf32>
    %bitcast_convert_type3A = tpu.bitcast %slice3A : vector<8192x128xf32> -> vector<8192x128xi32>
    %shift_right_logical3A = arith.constant 16 : i32
    %shift_right_logical3A_32 = vector.broadcast %shift_right_logical3A : i32 to vector<8192x128xi32>
    %shift_right_logical3A_33 = arith.shrui %bitcast_convert_type3A, %shift_right_logical3A_32 : vector<8192x128xi32>
    %slice3A_34 = vector.extract_strided_slice %dot_general3A_31 {offsets = [0, 128], sizes = [8192, 128], strides = [1, 1]} : vector<8192x256xf32> to vector<8192x128xf32>
    %bitcast_convert_type3A_35 = tpu.bitcast %slice3A_34 : vector<8192x128xf32> -> vector<8192x128xi32>
    %shift_right_logical3A_36 = arith.constant 16 : i32
    %shift_right_logical3A_37 = vector.broadcast %shift_right_logical3A_36 : i32 to vector<8192x128xi32>
    %shift_right_logical3A_38 = arith.shrui %bitcast_convert_type3A_35, %shift_right_logical3A_37 : vector<8192x128xi32>
    %shift_left3A = arith.constant 16 : i32
    %shift_left3A_39 = vector.broadcast %shift_left3A : i32 to vector<8192x128xi32>
    %shift_left3A_40 = arith.shli %shift_right_logical3A_38, %shift_left3A_39 : vector<8192x128xi32>
    %or3A = arith.ori %shift_right_logical3A_33, %shift_left3A_40 : vector<8192x128xi32>
    %bitcast_convert_type3A_41 = tpu.bitcast %or3A : vector<8192x128xi32> -> vector<8192x128xf32>
    %swap3A_42 = arith.constant 0 : index
    %swap3A_43 = arith.constant 0 : index
    %swap3A_44 = vector.load %arg6[%swap3A_42, %swap3A_43] : memref<8192x128xf32, #tpu.memory_space<vmem>>, vector<8192x128xf32>
    tpu.vector_store %arg6[%swap3A_42, %swap3A_43], %bitcast_convert_type3A_41 {strides = array<i32>} : memref<8192x128xf32, #tpu.memory_space<vmem>>, vector<8192x128xf32>,
    return
  }
  func.func @transform_0(%arg0: i32) -> (i32, i32) {
    %c0_i32 = arith.constant 0 : i32
    %c0_i32_0 = arith.constant 0 : i32
    return %c0_i32, %arg0 : i32, i32
  }
  func.func @transform_1(%arg0: i32) -> (i32, i32) {
    %c0_i32 = arith.constant 0 : i32
    %c0_i32_0 = arith.constant 0 : i32
    return %c0_i32, %arg0 : i32, i32
  }
  func.func @transform_2(%arg0: i32) -> (i32, i32) {
    %c0_i32 = arith.constant 0 : i32
    %c0_i32_0 = arith.constant 0 : i32
    return %c0_i32, %arg0 : i32, i32
  }
  func.func @transform_3(%arg0: i32) -> (i32, i32) {
    %c0_i32 = arith.constant 0 : i32
    %c0_i32_0 = arith.constant 0 : i32
    return %c0_i32, %arg0 : i32, i32
  }
  func.func @transform_4(%arg0: i32) -> (i32, i32) {
    %c0_i32 = arith.constant 0 : i32
    %c0_i32_0 = arith.constant 0 : i32
    %c0_i32_1 = arith.constant 0 : i32
    return %c0_i32, %c0_i32_0 : i32, i32
  }
  func.func @transform_5(%arg0: i32) -> (i32, i32) {
    %c0_i32 = arith.constant 0 : i32
    %c0_i32_0 = arith.constant 0 : i32
    return %arg0, %c0_i32 : i32, i32
  }
}

module attributes {stable_mosaic.version = 14 : i64} {
  func.func @_dense_body(%arg0: i32, %arg1: memref<2048x128xf32, #tpu.memory_space<vmem>>, %arg2: memref<2048x128xf32, #tpu.memory_space<vmem>>, %arg3: memref<16x64xf32, #tpu.memory_space<vmem>>, %arg4: memref<16x64xf32, #tpu.memory_space<vmem>>, %arg5: memref<16x64xf32, #tpu.memory_space<vmem>>, %arg6: memref<16x64xf32, #tpu.memory_space<vmem>>, %arg7: memref<1x64xf32, #tpu.memory_space<vmem>>, %arg8: memref<64x64xf32, #tpu.memory_space<vmem>>, %arg9: memref<1x64xf32, #tpu.memory_space<vmem>>, %arg10: memref<1x64xf32, #tpu.memory_space<vmem>>, %arg11: memref<1x4xf32, #tpu.memory_space<vmem>>, %arg12: memref<2048x1xf32, #tpu.memory_space<vmem>>) attributes {dimension_semantics = [#tpu.dimension_semantics<parallel>], iteration_bounds = array<i64: 8>, scalar_prefetch = 0 : i64, scratch_operands = 0 : i64, tpu.core_type = #tpu.core_type<tc>, window_params = [{transform_indices = @transform_0, window_bounds = array<i64: 2048, 128>}, {transform_indices = @transform_1, window_bounds = array<i64: 2048, 128>}, {pipeline_mode = #tpu.pipeline_mode<synchronous>, transform_indices = @transform_2, window_bounds = array<i64: 16, 64>}, {pipeline_mode = #tpu.pipeline_mode<synchronous>, transform_indices = @transform_3, window_bounds = array<i64: 16, 64>}, {pipeline_mode = #tpu.pipeline_mode<synchronous>, transform_indices = @transform_4, window_bounds = array<i64: 16, 64>}, {pipeline_mode = #tpu.pipeline_mode<synchronous>, transform_indices = @transform_5, window_bounds = array<i64: 16, 64>}, {pipeline_mode = #tpu.pipeline_mode<synchronous>, transform_indices = @transform_6, window_bounds = array<i64: 1, 64>}, {pipeline_mode = #tpu.pipeline_mode<synchronous>, transform_indices = @transform_7, window_bounds = array<i64: 64, 64>}, {pipeline_mode = #tpu.pipeline_mode<synchronous>, transform_indices = @transform_8, window_bounds = array<i64: 1, 64>}, {pipeline_mode = #tpu.pipeline_mode<synchronous>, transform_indices = @transform_9, window_bounds = array<i64: 1, 64>}, {pipeline_mode = #tpu.pipeline_mode<synchronous>, transform_indices = @transform_10, window_bounds = array<i64: 1, 4>}, {transform_indices = @transform_11, window_bounds = array<i64: 2048, 1>}]} {
    %get3A = arith.constant 0 : index
    %get3A_0 = arith.constant 0 : index
    %get3A_1 = vector.load %arg1[%get3A, %get3A_0] : memref<2048x128xf32, #tpu.memory_space<vmem>>, vector<2048x128xf32>
    %get3A_2 = arith.constant 0 : index
    %get3A_3 = arith.constant 0 : index
    %get3A_4 = vector.load %arg2[%get3A_2, %get3A_3] : memref<2048x128xf32, #tpu.memory_space<vmem>>, vector<2048x128xf32>
    %slice3A = vector.extract_strided_slice %get3A_1 {offsets = [0, 0], sizes = [2048, 32], strides = [1, 1]} : vector<2048x128xf32> to vector<2048x32xf32>
    %bitcast_convert_type3A = tpu.bitcast %slice3A : vector<2048x32xf32> -> vector<2048x32xi32>
    %shift_left3A = arith.constant 16 : i32
    %shift_left3A_5 = vector.broadcast %shift_left3A : i32 to vector<2048x32xi32>
    %shift_left3A_6 = arith.shli %bitcast_convert_type3A, %shift_left3A_5 : vector<2048x32xi32>
    %bitcast_convert_type3A_7 = tpu.bitcast %shift_left3A_6 : vector<2048x32xi32> -> vector<2048x32xf32>
    %shift_right_logical3A = arith.constant 16 : i32
    %shift_right_logical3A_8 = vector.broadcast %shift_right_logical3A : i32 to vector<2048x32xi32>
    %shift_right_logical3A_9 = arith.shrui %bitcast_convert_type3A, %shift_right_logical3A_8 : vector<2048x32xi32>
    %shift_left3A_10 = arith.constant 16 : i32
    %shift_left3A_11 = vector.broadcast %shift_left3A_10 : i32 to vector<2048x32xi32>
    %shift_left3A_12 = arith.shli %shift_right_logical3A_9, %shift_left3A_11 : vector<2048x32xi32>
    %bitcast_convert_type3A_13 = tpu.bitcast %shift_left3A_12 : vector<2048x32xi32> -> vector<2048x32xf32>
    %slice3A_14 = vector.extract_strided_slice %get3A_4 {offsets = [0, 48], sizes = [2048, 32], strides = [1, 1]} : vector<2048x128xf32> to vector<2048x32xf32>
    %bitcast_convert_type3A_15 = tpu.bitcast %slice3A_14 : vector<2048x32xf32> -> vector<2048x32xi32>
    %shift_left3A_16 = arith.constant 16 : i32
    %shift_left3A_17 = vector.broadcast %shift_left3A_16 : i32 to vector<2048x32xi32>
    %shift_left3A_18 = arith.shli %bitcast_convert_type3A_15, %shift_left3A_17 : vector<2048x32xi32>
    %bitcast_convert_type3A_19 = tpu.bitcast %shift_left3A_18 : vector<2048x32xi32> -> vector<2048x32xf32>
    %shift_right_logical3A_20 = arith.constant 16 : i32
    %shift_right_logical3A_21 = vector.broadcast %shift_right_logical3A_20 : i32 to vector<2048x32xi32>
    %shift_right_logical3A_22 = arith.shrui %bitcast_convert_type3A_15, %shift_right_logical3A_21 : vector<2048x32xi32>
    %shift_left3A_23 = arith.constant 16 : i32
    %shift_left3A_24 = vector.broadcast %shift_left3A_23 : i32 to vector<2048x32xi32>
    %shift_left3A_25 = arith.shli %shift_right_logical3A_22, %shift_left3A_24 : vector<2048x32xi32>
    %bitcast_convert_type3A_26 = tpu.bitcast %shift_left3A_25 : vector<2048x32xi32> -> vector<2048x32xf32>
    %slice3A_27 = vector.extract_strided_slice %get3A_1 {offsets = [0, 32], sizes = [2048, 16], strides = [1, 1]} : vector<2048x128xf32> to vector<2048x16xf32>
    %bitcast_convert_type3A_28 = tpu.bitcast %slice3A_27 : vector<2048x16xf32> -> vector<2048x16xi32>
    %shift_left3A_29 = arith.constant 16 : i32
    %shift_left3A_30 = vector.broadcast %shift_left3A_29 : i32 to vector<2048x16xi32>
    %shift_left3A_31 = arith.shli %bitcast_convert_type3A_28, %shift_left3A_30 : vector<2048x16xi32>
    %bitcast_convert_type3A_32 = tpu.bitcast %shift_left3A_31 : vector<2048x16xi32> -> vector<2048x16xf32>
    %shift_right_logical3A_33 = arith.constant 16 : i32
    %shift_right_logical3A_34 = vector.broadcast %shift_right_logical3A_33 : i32 to vector<2048x16xi32>
    %shift_right_logical3A_35 = arith.shrui %bitcast_convert_type3A_28, %shift_right_logical3A_34 : vector<2048x16xi32>
    %shift_left3A_36 = arith.constant 16 : i32
    %shift_left3A_37 = vector.broadcast %shift_left3A_36 : i32 to vector<2048x16xi32>
    %shift_left3A_38 = arith.shli %shift_right_logical3A_35, %shift_left3A_37 : vector<2048x16xi32>
    %bitcast_convert_type3A_39 = tpu.bitcast %shift_left3A_38 : vector<2048x16xi32> -> vector<2048x16xf32>
    %slice3A_40 = vector.extract_strided_slice %get3A_4 {offsets = [0, 80], sizes = [2048, 16], strides = [1, 1]} : vector<2048x128xf32> to vector<2048x16xf32>
    %bitcast_convert_type3A_41 = tpu.bitcast %slice3A_40 : vector<2048x16xf32> -> vector<2048x16xi32>
    %shift_left3A_42 = arith.constant 16 : i32
    %shift_left3A_43 = vector.broadcast %shift_left3A_42 : i32 to vector<2048x16xi32>
    %shift_left3A_44 = arith.shli %bitcast_convert_type3A_41, %shift_left3A_43 : vector<2048x16xi32>
    %bitcast_convert_type3A_45 = tpu.bitcast %shift_left3A_44 : vector<2048x16xi32> -> vector<2048x16xf32>
    %shift_right_logical3A_46 = arith.constant 16 : i32
    %shift_right_logical3A_47 = vector.broadcast %shift_right_logical3A_46 : i32 to vector<2048x16xi32>
    %shift_right_logical3A_48 = arith.shrui %bitcast_convert_type3A_41, %shift_right_logical3A_47 : vector<2048x16xi32>
    %shift_left3A_49 = arith.constant 16 : i32
    %shift_left3A_50 = vector.broadcast %shift_left3A_49 : i32 to vector<2048x16xi32>
    %shift_left3A_51 = arith.shli %shift_right_logical3A_48, %shift_left3A_50 : vector<2048x16xi32>
    %bitcast_convert_type3A_52 = tpu.bitcast %shift_left3A_51 : vector<2048x16xi32> -> vector<2048x16xf32>
    %mul3A = arith.mulf %bitcast_convert_type3A_7, %bitcast_convert_type3A_19 : vector<2048x32xf32>
    %mul3A_53 = arith.mulf %bitcast_convert_type3A_13, %bitcast_convert_type3A_26 : vector<2048x32xf32>
    %add3A = arith.addf %mul3A, %mul3A_53 : vector<2048x32xf32>
    %reduce_sum3A = arith.constant dense<0.000000e+00> : vector<2048xf32>
    %reduce_sum3A_54 = vector.multi_reduction <add>, %add3A, %reduce_sum3A [1] : vector<2048x32xf32> to vector<2048xf32>
    %broadcast_in_dim3A = vector.shape_cast %reduce_sum3A_54 : vector<2048xf32> to vector<2048x1xf32>
    %max3A = arith.constant 0.000000e+00 : f32
    %max3A_55 = vector.broadcast %max3A : f32 to vector<2048x1xf32>
    %max3A_56 = arith.maximumf %broadcast_in_dim3A, %max3A_55 : vector<2048x1xf32>
    %get3A_57 = arith.constant 0 : index
    %get3A_58 = arith.constant 0 : index
    %get3A_59 = vector.load %arg3[%get3A_57, %get3A_58] : memref<16x64xf32, #tpu.memory_space<vmem>>, vector<16x64xf32>
    %dot_general3A = arith.constant dense<0.000000e+00> : vector<2048x64xf32>
    %dot_general3A_60 = tpu.matmul %bitcast_convert_type3A_32, %get3A_59, %dot_general3A {dimension_numbers = #tpu.dot_dimension_numbers<[1], [0], [0], [1], [0, 0, 1, 1], [], []>, transpose_lhs_hint = false} : vector<2048x16xf32>, vector<16x64xf32>, vector<2048x64xf32> -> vector<2048x64xf32>
    %get3A_61 = arith.constant 0 : index
    %get3A_62 = arith.constant 0 : index
    %get3A_63 = vector.load %arg4[%get3A_61, %get3A_62] : memref<16x64xf32, #tpu.memory_space<vmem>>, vector<16x64xf32>
    %dot_general3A_64 = arith.constant dense<0.000000e+00> : vector<2048x64xf32>
    %dot_general3A_65 = tpu.matmul %bitcast_convert_type3A_39, %get3A_63, %dot_general3A_64 {dimension_numbers = #tpu.dot_dimension_numbers<[1], [0], [0], [1], [0, 0, 1, 1], [], []>, transpose_lhs_hint = false} : vector<2048x16xf32>, vector<16x64xf32>, vector<2048x64xf32> -> vector<2048x64xf32>
    %add3A_66 = arith.addf %dot_general3A_60, %dot_general3A_65 : vector<2048x64xf32>
    %get3A_67 = arith.constant 0 : index
    %get3A_68 = arith.constant 0 : index
    %get3A_69 = vector.load %arg5[%get3A_67, %get3A_68] : memref<16x64xf32, #tpu.memory_space<vmem>>, vector<16x64xf32>
    %dot_general3A_70 = arith.constant dense<0.000000e+00> : vector<2048x64xf32>
    %dot_general3A_71 = tpu.matmul %bitcast_convert_type3A_45, %get3A_69, %dot_general3A_70 {dimension_numbers = #tpu.dot_dimension_numbers<[1], [0], [0], [1], [0, 0, 1, 1], [], []>, transpose_lhs_hint = false} : vector<2048x16xf32>, vector<16x64xf32>, vector<2048x64xf32> -> vector<2048x64xf32>
    %add3A_72 = arith.addf %add3A_66, %dot_general3A_71 : vector<2048x64xf32>
    %get3A_73 = arith.constant 0 : index
    %get3A_74 = arith.constant 0 : index
    %get3A_75 = vector.load %arg6[%get3A_73, %get3A_74] : memref<16x64xf32, #tpu.memory_space<vmem>>, vector<16x64xf32>
    %dot_general3A_76 = arith.constant dense<0.000000e+00> : vector<2048x64xf32>
    %dot_general3A_77 = tpu.matmul %bitcast_convert_type3A_52, %get3A_75, %dot_general3A_76 {dimension_numbers = #tpu.dot_dimension_numbers<[1], [0], [0], [1], [0, 0, 1, 1], [], []>, transpose_lhs_hint = false} : vector<2048x16xf32>, vector<16x64xf32>, vector<2048x64xf32> -> vector<2048x64xf32>
    %add3A_78 = arith.addf %add3A_72, %dot_general3A_77 : vector<2048x64xf32>
    %get3A_79 = arith.constant 0 : index
    %get3A_80 = arith.constant 0 : index
    %get3A_81 = vector.load %arg7[%get3A_79, %get3A_80] : memref<1x64xf32, #tpu.memory_space<vmem>>, vector<1x64xf32>
    %add3A_82 = vector.broadcast %get3A_81 : vector<1x64xf32> to vector<2048x64xf32>
    %add3A_83 = arith.addf %add3A_78, %add3A_82 : vector<2048x64xf32>
    %max3A_84 = arith.constant 0.000000e+00 : f32
    %max3A_85 = vector.broadcast %max3A_84 : f32 to vector<2048x64xf32>
    %max3A_86 = arith.maximumf %add3A_83, %max3A_85 : vector<2048x64xf32>
    %get3A_87 = arith.constant 0 : index
    %get3A_88 = arith.constant 0 : index
    %get3A_89 = vector.load %arg8[%get3A_87, %get3A_88] : memref<64x64xf32, #tpu.memory_space<vmem>>, vector<64x64xf32>
    %dot_general3A_90 = arith.constant dense<0.000000e+00> : vector<2048x64xf32>
    %dot_general3A_91 = tpu.matmul %max3A_86, %get3A_89, %dot_general3A_90 {dimension_numbers = #tpu.dot_dimension_numbers<[1], [0], [0], [1], [0, 0, 1, 1], [], []>, transpose_lhs_hint = false} : vector<2048x64xf32>, vector<64x64xf32>, vector<2048x64xf32> -> vector<2048x64xf32>
    %get3A_92 = arith.constant 0 : index
    %get3A_93 = arith.constant 0 : index
    %get3A_94 = vector.load %arg9[%get3A_92, %get3A_93] : memref<1x64xf32, #tpu.memory_space<vmem>>, vector<1x64xf32>
    %add3A_95 = vector.broadcast %get3A_94 : vector<1x64xf32> to vector<2048x64xf32>
    %add3A_96 = arith.addf %dot_general3A_91, %add3A_95 : vector<2048x64xf32>
    %max3A_97 = arith.constant 0.000000e+00 : f32
    %max3A_98 = vector.broadcast %max3A_97 : f32 to vector<2048x64xf32>
    %max3A_99 = arith.maximumf %add3A_96, %max3A_98 : vector<2048x64xf32>
    %get3A_100 = arith.constant 0 : index
    %get3A_101 = arith.constant 0 : index
    %get3A_102 = vector.load %arg10[%get3A_100, %get3A_101] : memref<1x64xf32, #tpu.memory_space<vmem>>, vector<1x64xf32>
    %mul3A_103 = vector.broadcast %get3A_102 : vector<1x64xf32> to vector<2048x64xf32>
    %mul3A_104 = arith.mulf %max3A_99, %mul3A_103 : vector<2048x64xf32>
    %reduce_sum3A_105 = arith.constant dense<0.000000e+00> : vector<2048xf32>
    %reduce_sum3A_106 = vector.multi_reduction <add>, %mul3A_104, %reduce_sum3A_105 [1] : vector<2048x64xf32> to vector<2048xf32>
    %broadcast_in_dim3A_107 = vector.shape_cast %reduce_sum3A_106 : vector<2048xf32> to vector<2048x1xf32>
    %get3A_108 = arith.constant 0 : index
    %get3A_109 = arith.constant 0 : index
    %get3A_110 = vector.load %arg11[%get3A_108, %get3A_109] : memref<1x4xf32, #tpu.memory_space<vmem>>, vector<1x1xf32>
    %add3A_111 = vector.broadcast %get3A_110 : vector<1x1xf32> to vector<2048x1xf32>
    %add3A_112 = arith.addf %broadcast_in_dim3A_107, %add3A_111 : vector<2048x1xf32>
    %logistic3A = arith.negf %add3A_112 : vector<2048x1xf32>
    %logistic3A_113 = math.exp %logistic3A : vector<2048x1xf32>
    %logistic3A_114 = arith.constant 1.000000e+00 : f32
    %logistic3A_115 = vector.broadcast %logistic3A_114 : f32 to vector<2048x1xf32>
    %logistic3A_116 = arith.addf %logistic3A_115, %logistic3A_113 : vector<2048x1xf32>
    %logistic3A_117 = arith.divf %logistic3A_115, %logistic3A_116 : vector<2048x1xf32>
    %get3A_118 = arith.constant 0 : index
    %get3A_119 = arith.constant 1 : index
    %get3A_120 = vector.load %arg11[%get3A_118, %get3A_119] : memref<1x4xf32, #tpu.memory_space<vmem>>, vector<1x1xf32>
    %mul3A_121 = vector.broadcast %get3A_120 : vector<1x1xf32> to vector<2048x1xf32>
    %mul3A_122 = arith.mulf %max3A_56, %mul3A_121 : vector<2048x1xf32>
    %get3A_123 = arith.constant 0 : index
    %get3A_124 = arith.constant 2 : index
    %get3A_125 = vector.load %arg11[%get3A_123, %get3A_124] : memref<1x4xf32, #tpu.memory_space<vmem>>, vector<1x1xf32>
    %mul3A_126 = vector.broadcast %get3A_125 : vector<1x1xf32> to vector<2048x1xf32>
    %mul3A_127 = arith.mulf %logistic3A_117, %mul3A_126 : vector<2048x1xf32>
    %add3A_128 = arith.addf %mul3A_122, %mul3A_127 : vector<2048x1xf32>
    %get3A_129 = arith.constant 0 : index
    %get3A_130 = arith.constant 3 : index
    %get3A_131 = vector.load %arg11[%get3A_129, %get3A_130] : memref<1x4xf32, #tpu.memory_space<vmem>>, vector<1x1xf32>
    %add3A_132 = vector.broadcast %get3A_131 : vector<1x1xf32> to vector<2048x1xf32>
    %add3A_133 = arith.addf %add3A_128, %add3A_132 : vector<2048x1xf32>
    %logistic3A_134 = arith.negf %add3A_133 : vector<2048x1xf32>
    %logistic3A_135 = math.exp %logistic3A_134 : vector<2048x1xf32>
    %logistic3A_136 = arith.constant 1.000000e+00 : f32
    %logistic3A_137 = vector.broadcast %logistic3A_136 : f32 to vector<2048x1xf32>
    %logistic3A_138 = arith.addf %logistic3A_137, %logistic3A_135 : vector<2048x1xf32>
    %logistic3A_139 = arith.divf %logistic3A_137, %logistic3A_138 : vector<2048x1xf32>
    %swap3A = arith.constant 0 : index
    %swap3A_140 = arith.constant 0 : index
    %swap3A_141 = vector.load %arg12[%swap3A, %swap3A_140] : memref<2048x1xf32, #tpu.memory_space<vmem>>, vector<2048x1xf32>
    tpu.vector_store %arg12[%swap3A, %swap3A_140], %logistic3A_139 {strides = array<i32>} : memref<2048x1xf32, #tpu.memory_space<vmem>>, vector<2048x1xf32>,
    return
  }
  func.func @transform_0(%arg0: i32) -> (i32, i32) {
    %c0_i32 = arith.constant 0 : i32
    %c0_i32_0 = arith.constant 0 : i32
    return %arg0, %c0_i32 : i32, i32
  }
  func.func @transform_1(%arg0: i32) -> (i32, i32) {
    %c0_i32 = arith.constant 0 : i32
    %c0_i32_0 = arith.constant 0 : i32
    return %arg0, %c0_i32 : i32, i32
  }
  func.func @transform_2(%arg0: i32) -> (i32, i32) {
    %c0_i32 = arith.constant 0 : i32
    %c0_i32_0 = arith.constant 0 : i32
    %c0_i32_1 = arith.constant 0 : i32
    return %c0_i32, %c0_i32_0 : i32, i32
  }
  func.func @transform_3(%arg0: i32) -> (i32, i32) {
    %c0_i32 = arith.constant 0 : i32
    %c0_i32_0 = arith.constant 0 : i32
    %c0_i32_1 = arith.constant 0 : i32
    return %c0_i32, %c0_i32_0 : i32, i32
  }
  func.func @transform_4(%arg0: i32) -> (i32, i32) {
    %c0_i32 = arith.constant 0 : i32
    %c0_i32_0 = arith.constant 0 : i32
    %c0_i32_1 = arith.constant 0 : i32
    return %c0_i32, %c0_i32_0 : i32, i32
  }
  func.func @transform_5(%arg0: i32) -> (i32, i32) {
    %c0_i32 = arith.constant 0 : i32
    %c0_i32_0 = arith.constant 0 : i32
    %c0_i32_1 = arith.constant 0 : i32
    return %c0_i32, %c0_i32_0 : i32, i32
  }
  func.func @transform_6(%arg0: i32) -> (i32, i32) {
    %c0_i32 = arith.constant 0 : i32
    %c0_i32_0 = arith.constant 0 : i32
    %c0_i32_1 = arith.constant 0 : i32
    return %c0_i32, %c0_i32_0 : i32, i32
  }
  func.func @transform_7(%arg0: i32) -> (i32, i32) {
    %c0_i32 = arith.constant 0 : i32
    %c0_i32_0 = arith.constant 0 : i32
    %c0_i32_1 = arith.constant 0 : i32
    return %c0_i32, %c0_i32_0 : i32, i32
  }
  func.func @transform_8(%arg0: i32) -> (i32, i32) {
    %c0_i32 = arith.constant 0 : i32
    %c0_i32_0 = arith.constant 0 : i32
    %c0_i32_1 = arith.constant 0 : i32
    return %c0_i32, %c0_i32_0 : i32, i32
  }
  func.func @transform_9(%arg0: i32) -> (i32, i32) {
    %c0_i32 = arith.constant 0 : i32
    %c0_i32_0 = arith.constant 0 : i32
    %c0_i32_1 = arith.constant 0 : i32
    return %c0_i32, %c0_i32_0 : i32, i32
  }
  func.func @transform_10(%arg0: i32) -> (i32, i32) {
    %c0_i32 = arith.constant 0 : i32
    %c0_i32_0 = arith.constant 0 : i32
    %c0_i32_1 = arith.constant 0 : i32
    return %c0_i32, %c0_i32_0 : i32, i32
  }
  func.func @transform_11(%arg0: i32) -> (i32, i32) {
    %c0_i32 = arith.constant 0 : i32
    %c0_i32_0 = arith.constant 0 : i32
    return %arg0, %c0_i32 : i32, i32
  }
}

</mosaic_0001>

<sc_bundles>
// kernel: kernel.6.cloned.1.call-start
scs
__scs_entry_jumppad:
0x0: {  	(pc) =	sbr.rel $0x88, $3  }
0x1: {  	(tag) =	ssettag $0x0;
	lr =	simm.s32 $0x1  }
0x2: {  	[smem:$0x3F93] =	sst lr;
	_ =	strace $0xD0000000  }
0x3: {  	_ = 	snop  }
0x4: {  	_ = 	snop  }
0x5: {  	_ = 	snop  }
0x6: {  	_ = 	snop  }
0x7: {  	_ = 	snop  }
__scs_overlays_trampoline_lowered:
0x8: {  	[smem:$0x3FA2] =	sst s0  }
0x9: {  	[smem:$0x3FA3] =	sst s1  }
0xa: {  	[smem:$0x3FA4] =	sst s2  }
0xb: {  	[smem:$0x3FA5] =	sst s3  }
0xc: {  	[smem:$0x3FA6] =	sst s4  }
0xd: {  	[smem:$0x3FA7] =	sst s5  }
0xe: {  	[smem:$0x3FA8] =	sst s6  }
0xf: {  	[smem:$0x3FA9] =	sst s7  }
0x10: {  	[smem:$0x3FAA] =	sst s8  }
0x11: {  	[smem:$0x3FAB] =	sst s9;
	s0 =	simm.s32 @!p0 $0x0  }
0x12: {  	s1 =	sld [smem:$0x3F91];
	s0 =	simm.s32 @p0 $0x1  }
0x13: {  	[smem:$0x3FAC] =	sst s0;
	s0 =	simm.s32 @!p1 $0x0  }
0x14: {  	s2 =	sld [smem:$0x3F90];
	s0 =	simm.s32 @p1 $0x1  }
0x15: {  	[smem:$0x3FAD] =	sst s0;
	s0 =	simm.s32 @!p2 $0x0  }
0x16: {  	s3 =	sld [smem:$0x3FDB];
	s0 =	simm.s32 @p2 $0x1  }
0x17: {  	s4 =	simm.s32 $0x1BF5;
	[smem:$0x3FAF] =	sst s0  }
0x18: {  	s0 =	sld [smem:$0x3F92];
	_ =	swait.ge [sflag:s4], $0x0  }
0x19: {  	s7 =	sld [smem:$0x3F93]  }
0x1a: {  	s8 =	sadd.s32 $0xFFFFE003, lr  }
0x1b: {  	s9 =	sadd.s32 $0xFFFFFEF7, lr;
	s5 =	simm.s32 $0xFFFFFFFF;
	p2 =	slt.u32 s8, $0xFFFFF086  }
0x1c: {  	p1 =	slt.u32 s9, $0xF7A;
	s5 =	simm.s32 @!p2 $0x0  }
0x1d: {  	s5 =	simm.s32 @p1 $0x1;
	p0 =	seq.s32 s7, s2  }
0x1e: {  	s7 =	smul.u32 @!p0 $0xF7A, s2;
	p2 =	seq.s32 @!p0 s5, $0x0  }
0x1f: {  	s9 =	smul.u32 $0xF7A, s1;
	s8 =	simm.s32 @!p0 $0x1BF5;
	p2 =	por !p2, p0  }
0x20: {  	[sflag:s8] =	ssyncset.s32 @!p0 $0xFFFFF086;
	s6 =	sadd.s32 @!p0 s3, s7;
	s7 =	simm.s32 @!p0 $0x108  }
0x21: {  	s3 =	sadd.s32 s3, s9;
	s6 =	sadd.s32 @!p0 $0x88, s6;
	s7 =	simm.s32 @p2 $0x1082  }
0x22: {  	[simem:s7], [sflag:s8] =	dma.local @!p0 [hbm:s6], $0xF7A  }
0x23: {  	s9 =	sor.u32 $0xD0000000, s2;
	s6 =	simm.s32 $0x108;
	_ =	swait.ge @!p0 [sflag:s8], $0x0  }
0x24: {  	s3 =	sadd.s32 $0x88, s3;
	s6 =	simm.s32 @!p1 $0x1082;
	[sflag:s4] =	ssyncset.s32 $0xFFFFF086  }
0x25: {  	[simem:s6], [sflag:s4] =	dma.local [hbm:s3], $0xF7A  }
0x26: {  	[smem:$0x3F93] =	sst s1;
	(tag) =	ssettag s2;
	_ =	strace s9  }
0x27: {  	s1 =	sld [smem:$0x3FA3]  }
0x28: {  	s2 =	sld [smem:$0x3FA4]  }
0x29: {  	s4 =	sld [smem:$0x3FA6]  }
0x2a: {  	p0 =	seq.s32 s5, $0x0;
	s5 =	sld [smem:$0x3FA7]  }
0x2b: {  	s6 =	sld [smem:$0x3FA8]  }
0x2c: {  	s7 =	sld [smem:$0x3FA9]  }
0x2d: {  	s3 =	simm.s32 $0x108;
	s8 =	sld [smem:$0x3FAA]  }
0x2e: {  	s3 =	simm.s32 @!p0 $0x1082;
	s9 =	sld [smem:$0x3FAB]  }
0x2f: {  	lr =	sadd.s32 s0, s3;
	s0 =	sld [smem:$0x3FA2]  }
0x30: {  	s3 =	sld [smem:$0x3FA5]  }
0x31: {  	[smem:$0x3FAE] =	sst s10  }
0x32: {  	s10 =	sld [smem:$0x3FAC];
	_ =	sdelay $0x3  }
0x33: {  	p0 =	seq.s32 s10, $0x1;
	s10 =	sld [smem:$0x3FAE];
	_ =	sdelay $0x3  }
0x34: {  	[smem:$0x3FAE] =	sst s10  }
0x35: {  	s10 =	sld [smem:$0x3FAD];
	_ =	sdelay $0x3  }
0x36: {  	p1 =	seq.s32 s10, $0x1;
	s10 =	sld [smem:$0x3FAE];
	_ =	sdelay $0x3  }
0x37: {  	[smem:$0x3FAE] =	sst s10  }
0x38: {  	s10 =	sld [smem:$0x3FAF]  }
0x39: {  	_ = 	snop;
	(pc) =	sbr.ind lr, $3  }
0x3a: {  	_ = 	snop  }
0x3b: {  	_ = 	snop  }
0x3c: {  	p2 =	seq.s32 s10, $0x1;
	s10 =	sld [smem:$0x3FAE]  }
0x3d: {  	_ =	shalt  }
0x3e: {  	_ =	shalt  }
0x3f: {  	_ =	shalt  }
0x40: {  	_ =	shalt  }
0x41: {  	_ =	shalt  }
0x42: {  	_ =	shalt  }
0x43: {  	_ =	shalt  }
0x44: {  	_ =	shalt  }
0x45: {  	_ =	shalt  }
0x46: {  	_ =	shalt  }
0x47: {  	_ =	shalt  }
0x48: {  	_ =	shalt  }
0x49: {  	_ =	shalt  }
0x4a: {  	_ =	shalt  }
0x4b: {  	_ =	shalt  }
0x4c: {  	_ =	shalt  }
0x4d: {  	_ =	shalt  }
0x4e: {  	_ =	shalt  }
0x4f: {  	_ =	shalt  }
0x50: {  	_ =	shalt  }
0x51: {  	_ =	shalt  }
0x52: {  	_ =	shalt  }
0x53: {  	_ =	shalt  }
0x54: {  	_ =	shalt  }
0x55: {  	_ =	shalt  }
0x56: {  	_ =	shalt  }
0x57: {  	_ =	shalt  }
0x58: {  	_ =	shalt  }
0x59: {  	_ =	shalt  }
0x5a: {  	_ =	shalt  }
0x5b: {  	_ =	shalt  }
0x5c: {  	_ =	shalt  }
0x5d: {  	_ =	shalt  }
0x5e: {  	_ =	shalt  }
0x5f: {  	_ =	shalt  }
0x60: {  	_ =	shalt  }
0x61: {  	_ =	shalt  }
0x62: {  	_ =	shalt  }
0x63: {  	_ =	shalt  }
0x64: {  	_ =	shalt  }
0x65: {  	_ =	shalt  }
0x66: {  	_ =	shalt  }
0x67: {  	_ =	shalt  }
0x68: {  	_ =	shalt  }
0x69: {  	_ =	shalt  }
0x6a: {  	_ =	shalt  }
0x6b: {  	_ =	shalt  }
0x6c: {  	_ =	shalt  }
0x6d: {  	_ =	shalt  }
0x6e: {  	_ =	shalt  }
0x6f: {  	_ =	shalt  }
0x70: {  	_ =	shalt  }
0x71: {  	_ =	shalt  }
0x72: {  	_ =	shalt  }
0x73: {  	_ =	shalt  }
0x74: {  	_ =	shalt  }
0x75: {  	_ =	shalt  }
0x76: {  	_ =	shalt  }
0x77: {  	_ =	shalt  }
0x78: {  	_ =	shalt  }
0x79: {  	_ =	shalt  }
0x7a: {  	_ =	shalt  }
0x7b: {  	_ =	shalt  }
0x7c: {  	_ =	shalt  }
0x7d: {  	_ =	shalt  }
0x7e: {  	_ =	shalt  }
0x7f: {  	_ =	shalt  }
0x80: {  	_ =	shalt  }
0x81: {  	_ =	shalt  }
0x82: {  	_ =	shalt  }
0x83: {  	_ =	shalt  }
0x84: {  	_ =	shalt  }
0x85: {  	_ =	shalt  }
0x86: {  	_ =	shalt  }
0x87: {  	_ =	shalt  }
.Lfunc_end0:
.L_simem_size_0:
called_computation_lowered:
.L_overlay_start_0:
0x88: {  	s2 =	sld [smem:$0x3FD9]  }
0x89: {  	s3 =	sld [smem:$0x3FFE];
	_ =	sdelay $0x1  }
0x8a: {  	s1 =	srdreg.scid  }
0x8b: {  	s0 =	sand.u32 $0x1, s1  }
0x8c: {  	s17 =	sshll.u32 s0, $0xA;
	s2 =	sadd.s32 s3, s2  }
0x8d: {  	s2 =	sadd.s32 s2, s17  }
0x8e: {  	[smem:$0x3FBA] =	sst s2  }
0x8f: {  	_ = 	snop  }
0x90: {  	s2 =	sld [smem:$0x3FC9];
	(tm) =	ssettm $0x1  }
0x91: {  	s18 =	sld [smem:$0x3FFB];
	_ =	sdelay $0x3  }
0x92: {  	_ =	strace s18  }
0x93: {  	s3 =	sld [smem:$0x3FFC];
	_ =	sdelay $0x3  }
0x94: {  	_ =	strace s3  }
0x95: {  	s3 =	sld [smem:$0x3FFD];
	_ =	sdelay $0x3  }
0x96: {  	_ =	strace s3  }
0x97: {  	_ =	strace $0x8FFFFFFF  }
0x98: {  	s19 =	sld [smem:$0x3FDB];
	_ =	sdelay $0x1  }
0x99: {  	s4 =	simm.s32 $_scs_section_size  }
0x9a: {  	s5 =	simm.s32 $_size__tile_overlayer_lowered;
	s6 =	simm.s32 $_tile_overlayer_lowered  }
0x9b: {  	s22 =	simm.s32 $0x1BFF;
	s21 =	sshll.u32 s6, $0x1;
	s3 =	sadd.s32 s4, s19  }
0x9c: {  	s7 =	simm.s32 $0x0;
	s20 =	sshll.u32 s5, $0x1;
	s5 =	sadd.s32 s21, s3  }
0x9d: {  	[timem:s7], [sflag:s22] =	dma.local [hbm:s5], s20  }
0x9e: {  	_ =	swait.ge [sflag:s22], s20  }
0x9f: {  	s4 =	ssub.s32 $0x0, s20;
	[sflag:s22] =	ssyncset.done $0x0  }
0xa0: {  	[sflag:s22] =	ssyncadd.s32 s4;
	_ =	sdelay $0x1  }
0xa1: {  	s23 =	simm.s32 $0x1B8B  }
0xa2: {  	_ =	swait.ge [sflag:s23], $0x1  }
0xa3: {  	[sflag:s23] =	ssyncset.done $0x0  }
0xa4: {  	s25 =	simm.s32 $0x1B8E;
	s24 =	sld [smem:$0x3FFE];
	[sflag:s23] =	ssyncadd.s32 $0xFFFFFFFF  }
0xa5: {  	s26 =	simm.s32 $execute0_lowered;
	[smem:$0x3FD2] =	sst s25  }
0xa6: {  	s5 =	sshll.u32 s26, $0x1;
	_ =	strace $0x80000046;
	[dreg:$0x1] =	wrdreg $0xFFFFFFFF  }
0xa7: {  	s28 =	simm.s32 $_size_execute0_lowered;
	s3 =	sadd.s32 s3, s5;
	[dreg:$0x0] =	wrdreg $0x0  }
0xa8: {  	s5 =	sshll.u32 s28, $0x1;
	[dreg:$0x2] =	wrdreg s3  }
0xa9: {  	[dreg:$0x3] =	wrdreg s5  }
0xaa: {  	[dreg:$0x4] =	wrdreg $0xC0  }
0xab: {  	_ =	task [dreg:s7], $0x5FFFF  }
0xac: {  	[dreg:$0x1] =	wrdreg $0xFFFFFFFF  }
0xad: {  	[dreg:$0x0] =	wrdreg $0x60  }
0xae: {  	[dreg:$0x2] =	wrdreg s2  }
0xaf: {  	[dreg:$0x3] =	wrdreg s24  }
0xb0: {  	[dreg:$0x4] =	wrdreg $0x9  }
0xb1: {  	_ =	task.clear_ibuf [dreg:s7], $0x5FFFF;
	_ =	strace $0x90000046  }
0xb2: {  	s29 =	simm.s32 $0x9;
	_ =	strace $0x80000048  }
0xb3: {  	_ =	swait.ge [sflag:s29], $0x1  }
0xb4: {  	[sflag:s29] =	ssyncadd.s32 $0xFFFFFFFF  }
0xb5: {  	_ =	strace $0x90000048  }
0xb6: {  	_ =	sfence  }
0xb7: {  	s30 =	sld [smem:$0x0];
	_ =	sdelay $0x2  }
0xb8: {  	s31 =	sshll.u32 s1, $0xD;
	s1 =	sshrl.u32 s1, $0x2  }
0xb9: {  	s3 =	sand.u32 $0x4000, s31;
	s1 =	sadd.s32 s1, s30  }
0xba: {  	s0 =	sor.u32 s3, s0;
	s1 =	sshll.u32 s1, $0x11  }
0xbb: {  	s0 =	sor.u32 s1, s0  }
0xbc: {  	s0 =	sadd.s32 $0x8F2B, s0  }
0xbd: {  	[sflag:s0] =	ssyncadd.remote.s32 $0x1  }
0xbe: {  	_ =	sfence.sel $0xFFFF  }
0xbf: {  	[dreg:$0x0] =	wrdreg $0xFFFFFFFF;
	(pc) =	sbr.abs _section_cstart, $3  }
0xc0: {  	[dreg:$0x1] =	wrdreg $0xFFFFFFFF  }
0xc1: {  	_ =	task.clear_ibuf [dreg:s7], $0x2FFFF;
	_ =	strace $0x9FFFFFFF  }
0xc2: {  	(tm) =	ssettm $0x7FFFFFFF  }
0xc3: {  	_ =	shalt  }
tec
execute0_lowered:
.L_overlay_start_1:
0x0: {  	(tag) =	ssettag $0x1  }
0x1: {  	s1 =	srdreg.scid  }
0x2: {  	s5 =	rddreg [dreg:$0x0];
	s0 =	stileid.u32;
	s12 =	sand.u32 $0x1, s1  }
0x3: {  	s11 =	rddreg [dreg:$0x1];
	s3 =	sshll.u32 s0, $0xA;
	s4 =	sshll.u32 s12, $0x9  }
0x4: {  	s2 =	simm.s32 $0x0;
	s1 =	rddreg [dreg:$0x2];
	s13 =	sor.u32 s4, s3  }
0x5: {  	[smem:$0x7FF] =	sst s2;
	s3 =	sshrl.u32 s13, $0x3  }
0x6: {  	_ =	strace $0x80000047;
	s4 =	simm.s32 $0x3;
	s3 =	sadd.s32 s5, s3  }
0x7: {  	[tilespmem:s2], [sflag:$0x3] =	stream.linear.gather [hbm4b:s3+s2], $0x100, $0x38;
	[tilespmem:$0x10200] =	vst v63  }
0x8: {  	s14 =	sor.u32 $0x100, s13;
	_ =	swait.ge [sflag:s4], $0x100  }
0x9: {  	s6 =	sshrl.u32 s14, $0x3;
	[sflag:s4] =	ssyncset.done $0x0  }
0xa: {  	s5 =	sadd.s32 s5, s6;
	s6 =	simm.s32 $0x100;
	[sflag:s4] =	ssyncadd.s32 $0xFFFFFF00  }
0xb: {  	[tilespmem:s6], [sflag:$0x3] =	stream.linear.gather [hbm4b:s5+s2], $0x100, $0x38;
	[tilespmem:$0x10200] =	vst v63  }
0xc: {  	_ =	swait.ge [sflag:s4], $0x100  }
0xd: {  	[sflag:s4] =	ssyncset.done $0x0  }
0xe: {  	s8 =	simm.s32 $0x200;
	s7 =	sadd.s32 $0x1A00, s11;
	[sflag:s4] =	ssyncadd.s32 $0xFFFFFF00  }
0xf: {  	[tilespmem:s8], [sflag:$0x1] =	stream.indirect.gather [hbm4b:s7+s6], $0x80, s2, s6, $0xb8;
	[tilespmem:$0x10200] =	vst v63  }
0x10: {  	s9 =	simm.s32 $0x8200;
	s10 =	simm.s32 $0x1  }
0x11: {  	[tilespmem:s9], [sflag:$0x1] =	stream.indirect.gather [hbm4b:s7+s6], $0x80, s6, s6, $0xb8;
	[tilespmem:$0x10200] =	vst v63  }
0x12: {  	_ =	swait.ge [sflag:s10], $0x8000  }
0x13: {  	[sflag:s10] =	ssyncset.done $0x0  }
0x14: {  	s15 =	sadd.s32 $0xF43E00, s11;
	s30 =	ssub.s32 $0x2, s12;
	[sflag:s10] =	ssyncadd.s32 $0xFFFF8000  }
0x15: {  	s31 =	sshrl.u32 s30, $0x1;
	s28 =	sshll.u32 s13, $0x4;
	_ =	swait.ge [sflag:s10], $0x8000  }
0x16: {  	s29 =	sshll.u32 s14, $0x4;
	s14 =	ssub.s32 s30, s31;
	[sflag:s10] =	ssyncset.done $0x0  }
0x17: {  	s11 =	sadd.s32 s15, s28;
	s14 =	smax.u32 s14, $0x1;
	[sflag:s10] =	ssyncadd.s32 $0xFFFF8000  }
0x18: {  	[hbm4b:s11+s2] =	stream.linear.scatter [tilespmem:s8], [sflag:$0x2], $0x8000, $0x38;
	[tilespmem:$0x10200] =	vst v63  }
0x19: {  	s12 =	simm.s32 $0x2;
	s13 =	sadd.s32 s15, s29;
	p0 =	sne.s32 s14, $0x1  }
0x1a: {  	[hbm4b:s13+s2] =	stream.linear.scatter [tilespmem:s9], [sflag:$0x2], $0x8000, $0x38;
	[tilespmem:$0x10200] =	vst v63  }
.Ltmp0:
0x1b: {  	_ =	swait.ge [sflag:s12], $0x8000;
	(pc) =	sbr.rel @!p0 .LBB2_2-.Ltmp0, $4  }
0x1c: {  	[sflag:s12] =	ssyncset.done $0x0  }
0x1d: {  	[sflag:s12] =	ssyncadd.s32 $0xFFFF8000  }
0x1e: {  	_ =	swait.ge [sflag:s12], $0x8000  }
0x1f: {  	s14 =	sadd.s32 $0xFFFFFFFF, s14;
	[sflag:s12] =	ssyncset.done $0x0  }
.LBB2_1:
0x20: {  	p0 =	sne.s32 s14, $0x1;
	s14 =	sadd.s32 $0xFFFFFFFF, s14;
	[sflag:s12] =	ssyncadd.s32 $0xFFFF8000  }
0x21: {  	[tilespmem:s2], [sflag:$0x3] =	stream.linear.gather [hbm4b:s3+s2], $0x100, $0x38;
	[tilespmem:$0x10200] =	vst v63  }
0x22: {  	_ =	swait.ge [sflag:s4], $0x100  }
0x23: {  	[sflag:s4] =	ssyncset.done $0x0  }
0x24: {  	[sflag:s4] =	ssyncadd.s32 $0xFFFFFF00  }
0x25: {  	[tilespmem:s6], [sflag:$0x3] =	stream.linear.gather [hbm4b:s5+s2], $0x100, $0x38;
	[tilespmem:$0x10200] =	vst v63  }
0x26: {  	_ =	swait.ge [sflag:s4], $0x100  }
0x27: {  	[sflag:s4] =	ssyncset.done $0x0  }
0x28: {  	[sflag:s4] =	ssyncadd.s32 $0xFFFFFF00  }
0x29: {  	[tilespmem:s8], [sflag:$0x1] =	stream.indirect.gather [hbm4b:s7+s6], $0x80, s2, s6, $0xb8;
	[tilespmem:$0x10200] =	vst v63  }
0x2a: {  	_ = 	snop  }
0x2b: {  	[tilespmem:s9], [sflag:$0x1] =	stream.indirect.gather [hbm4b:s7+s6], $0x80, s6, s6, $0xb8;
	[tilespmem:$0x10200] =	vst v63  }
0x2c: {  	_ =	swait.ge [sflag:s10], $0x8000  }
0x2d: {  	[sflag:s10] =	ssyncset.done $0x0  }
0x2e: {  	[sflag:s10] =	ssyncadd.s32 $0xFFFF8000  }
0x2f: {  	_ =	swait.ge [sflag:s10], $0x8000  }
0x30: {  	[sflag:s10] =	ssyncset.done $0x0  }
0x31: {  	[sflag:s10] =	ssyncadd.s32 $0xFFFF8000  }
0x32: {  	[hbm4b:s11+s2] =	stream.linear.scatter [tilespmem:s8], [sflag:$0x2], $0x8000, $0x38;
	[tilespmem:$0x10200] =	vst v63  }
0x33: {  	_ = 	snop  }
0x34: {  	[hbm4b:s13+s2] =	stream.linear.scatter [tilespmem:s9], [sflag:$0x2], $0x8000, $0x38;
	[tilespmem:$0x10200] =	vst v63  }
.Ltmp1:
0x35: {  	_ =	swait.ge [sflag:s12], $0x8000;
	(pc) =	sbr.rel @p0 .LBB2_1-.Ltmp1, $4  }
0x36: {  	[sflag:s12] =	ssyncset.done $0x0  }
0x37: {  	[sflag:s12] =	ssyncadd.s32 $0xFFFF8000  }
0x38: {  	_ =	swait.ge [sflag:s12], $0x8000  }
0x39: {  	[sflag:s12] =	ssyncset.done $0x0  }
.LBB2_2:
0x3a: {  	[sflag:s12] =	ssyncadd.s32 $0xFFFF8000  }
0x3b: {  	_ =	sfence.sel $0x180000  }
0x3c: {  	[bflag:$0x0] =	sbarrier.arrive $0xFFFF  }
0x3d: {  	p0 =	sne.s32 s0, $0x0;
	_ =	strace $0x90000047  }
0x3e: {  	s0 =	sadd.s32 @!p0 $0x100000, s1;
	[bflag:$0x2] =	sbarrier.arrive $0xFFFF  }
0x3f: {  	[sflag:s0] =	ssyncadd.tile.s32 @!p0 $0x1;
	_ =	shalt  }
.Lfunc_end2:
_tile_overlayer_lowered:
.L_overlay_start_2:
0x40: {  	(tag) =	ssettag $0x2  }
0x41: {  	s0 =	rddreg [dreg:$0x0];
	s2 =	stileid.u32  }
0x42: {  	s1 =	rddreg [dreg:$0x1];
	p0 =	sne.s32 s2, $0x0  }
0x43: {  	s3 =	rddreg [dreg:$0x2];
	[bflag:$0x3] =	sbarrier.arrive $0xFFFF;
	s2 =	simm.s32 @!p0 $0x1C03  }
0x44: {  	[timem:s3], [sflag:s2] =	dma.local @!p0 [hbm:s0], s1  }
0x45: {  	s0 =	simm.s32 @!p0 $0x3  }
0x46: {  	_ =	swait.ge @!p0 [sflag:s0], s1  }
0x47: {  	s1 =	ssub.s32 @!p0 $0x0, s1;
	[sflag:s0] =	ssyncset.done @!p0 $0x0  }
0x48: {  	[sflag:s0] =	ssyncadd.s32 @!p0 s1  }
0x49: {  	[bflag:$0x3] =	sbarrier.arrive $0xFFFF  }
0x4a: {  	_ =	shalt  }

// kernel: kernel.9.cloned.1.call-start
scs
__scs_entry_jumppad:
0x0: {  	(pc) =	sbr.rel $0x88, $3  }
0x1: {  	(tag) =	ssettag $0x0;
	lr =	simm.s32 $0x1  }
0x2: {  	[smem:$0x3F93] =	sst lr;
	_ =	strace $0xD0000000  }
0x3: {  	_ = 	snop  }
0x4: {  	_ = 	snop  }
0x5: {  	_ = 	snop  }
0x6: {  	_ = 	snop  }
0x7: {  	_ = 	snop  }
__scs_overlays_trampoline_lowered:
0x8: {  	[smem:$0x3FA2] =	sst s0  }
0x9: {  	[smem:$0x3FA3] =	sst s1  }
0xa: {  	[smem:$0x3FA4] =	sst s2  }
0xb: {  	[smem:$0x3FA5] =	sst s3  }
0xc: {  	[smem:$0x3FA6] =	sst s4  }
0xd: {  	[smem:$0x3FA7] =	sst s5  }
0xe: {  	[smem:$0x3FA8] =	sst s6  }
0xf: {  	[smem:$0x3FA9] =	sst s7  }
0x10: {  	[smem:$0x3FAA] =	sst s8  }
0x11: {  	[smem:$0x3FAB] =	sst s9;
	s0 =	simm.s32 @!p0 $0x0  }
0x12: {  	s1 =	sld [smem:$0x3F91];
	s0 =	simm.s32 @p0 $0x1  }
0x13: {  	[smem:$0x3FAC] =	sst s0;
	s0 =	simm.s32 @!p1 $0x0  }
0x14: {  	s2 =	sld [smem:$0x3F90];
	s0 =	simm.s32 @p1 $0x1  }
0x15: {  	[smem:$0x3FAD] =	sst s0;
	s0 =	simm.s32 @!p2 $0x0  }
0x16: {  	s3 =	sld [smem:$0x3FDB];
	s0 =	simm.s32 @p2 $0x1  }
0x17: {  	s4 =	simm.s32 $0x1BF5;
	[smem:$0x3FAF] =	sst s0  }
0x18: {  	s0 =	sld [smem:$0x3F92];
	_ =	swait.ge [sflag:s4], $0x0  }
0x19: {  	s7 =	sld [smem:$0x3F93]  }
0x1a: {  	s8 =	sadd.s32 $0xFFFFE003, lr  }
0x1b: {  	s9 =	sadd.s32 $0xFFFFFEF7, lr;
	s5 =	simm.s32 $0xFFFFFFFF;
	p2 =	slt.u32 s8, $0xFFFFF086  }
0x1c: {  	p1 =	slt.u32 s9, $0xF7A;
	s5 =	simm.s32 @!p2 $0x0  }
0x1d: {  	s5 =	simm.s32 @p1 $0x1;
	p0 =	seq.s32 s7, s2  }
0x1e: {  	s7 =	smul.u32 @!p0 $0xF7A, s2;
	p2 =	seq.s32 @!p0 s5, $0x0  }
0x1f: {  	s9 =	smul.u32 $0xF7A, s1;
	s8 =	simm.s32 @!p0 $0x1BF5;
	p2 =	por !p2, p0  }
0x20: {  	[sflag:s8] =	ssyncset.s32 @!p0 $0xFFFFF086;
	s6 =	sadd.s32 @!p0 s3, s7;
	s7 =	simm.s32 @!p0 $0x108  }
0x21: {  	s3 =	sadd.s32 s3, s9;
	s6 =	sadd.s32 @!p0 $0x88, s6;
	s7 =	simm.s32 @p2 $0x1082  }
0x22: {  	[simem:s7], [sflag:s8] =	dma.local @!p0 [hbm:s6], $0xF7A  }
0x23: {  	s9 =	sor.u32 $0xD0000000, s2;
	s6 =	simm.s32 $0x108;
	_ =	swait.ge @!p0 [sflag:s8], $0x0  }
0x24: {  	s3 =	sadd.s32 $0x88, s3;
	s6 =	simm.s32 @!p1 $0x1082;
	[sflag:s4] =	ssyncset.s32 $0xFFFFF086  }
0x25: {  	[simem:s6], [sflag:s4] =	dma.local [hbm:s3], $0xF7A  }
0x26: {  	[smem:$0x3F93] =	sst s1;
	(tag) =	ssettag s2;
	_ =	strace s9  }
0x27: {  	s1 =	sld [smem:$0x3FA3]  }
0x28: {  	s2 =	sld [smem:$0x3FA4]  }
0x29: {  	s4 =	sld [smem:$0x3FA6]  }
0x2a: {  	p0 =	seq.s32 s5, $0x0;
	s5 =	sld [smem:$0x3FA7]  }
0x2b: {  	s6 =	sld [smem:$0x3FA8]  }
0x2c: {  	s7 =	sld [smem:$0x3FA9]  }
0x2d: {  	s3 =	simm.s32 $0x108;
	s8 =	sld [smem:$0x3FAA]  }
0x2e: {  	s3 =	simm.s32 @!p0 $0x1082;
	s9 =	sld [smem:$0x3FAB]  }
0x2f: {  	lr =	sadd.s32 s0, s3;
	s0 =	sld [smem:$0x3FA2]  }
0x30: {  	s3 =	sld [smem:$0x3FA5]  }
0x31: {  	[smem:$0x3FAE] =	sst s10  }
0x32: {  	s10 =	sld [smem:$0x3FAC];
	_ =	sdelay $0x3  }
0x33: {  	p0 =	seq.s32 s10, $0x1;
	s10 =	sld [smem:$0x3FAE];
	_ =	sdelay $0x3  }
0x34: {  	[smem:$0x3FAE] =	sst s10  }
0x35: {  	s10 =	sld [smem:$0x3FAD];
	_ =	sdelay $0x3  }
0x36: {  	p1 =	seq.s32 s10, $0x1;
	s10 =	sld [smem:$0x3FAE];
	_ =	sdelay $0x3  }
0x37: {  	[smem:$0x3FAE] =	sst s10  }
0x38: {  	s10 =	sld [smem:$0x3FAF]  }
0x39: {  	_ = 	snop;
	(pc) =	sbr.ind lr, $3  }
0x3a: {  	_ = 	snop  }
0x3b: {  	_ = 	snop  }
0x3c: {  	p2 =	seq.s32 s10, $0x1;
	s10 =	sld [smem:$0x3FAE]  }
0x3d: {  	_ =	shalt  }
0x3e: {  	_ =	shalt  }
0x3f: {  	_ =	shalt  }
0x40: {  	_ =	shalt  }
0x41: {  	_ =	shalt  }
0x42: {  	_ =	shalt  }
0x43: {  	_ =	shalt  }
0x44: {  	_ =	shalt  }
0x45: {  	_ =	shalt  }
0x46: {  	_ =	shalt  }
0x47: {  	_ =	shalt  }
0x48: {  	_ =	shalt  }
0x49: {  	_ =	shalt  }
0x4a: {  	_ =	shalt  }
0x4b: {  	_ =	shalt  }
0x4c: {  	_ =	shalt  }
0x4d: {  	_ =	shalt  }
0x4e: {  	_ =	shalt  }
0x4f: {  	_ =	shalt  }
0x50: {  	_ =	shalt  }
0x51: {  	_ =	shalt  }
0x52: {  	_ =	shalt  }
0x53: {  	_ =	shalt  }
0x54: {  	_ =	shalt  }
0x55: {  	_ =	shalt  }
0x56: {  	_ =	shalt  }
0x57: {  	_ =	shalt  }
0x58: {  	_ =	shalt  }
0x59: {  	_ =	shalt  }
0x5a: {  	_ =	shalt  }
0x5b: {  	_ =	shalt  }
0x5c: {  	_ =	shalt  }
0x5d: {  	_ =	shalt  }
0x5e: {  	_ =	shalt  }
0x5f: {  	_ =	shalt  }
0x60: {  	_ =	shalt  }
0x61: {  	_ =	shalt  }
0x62: {  	_ =	shalt  }
0x63: {  	_ =	shalt  }
0x64: {  	_ =	shalt  }
0x65: {  	_ =	shalt  }
0x66: {  	_ =	shalt  }
0x67: {  	_ =	shalt  }
0x68: {  	_ =	shalt  }
0x69: {  	_ =	shalt  }
0x6a: {  	_ =	shalt  }
0x6b: {  	_ =	shalt  }
0x6c: {  	_ =	shalt  }
0x6d: {  	_ =	shalt  }
0x6e: {  	_ =	shalt  }
0x6f: {  	_ =	shalt  }
0x70: {  	_ =	shalt  }
0x71: {  	_ =	shalt  }
0x72: {  	_ =	shalt  }
0x73: {  	_ =	shalt  }
0x74: {  	_ =	shalt  }
0x75: {  	_ =	shalt  }
0x76: {  	_ =	shalt  }
0x77: {  	_ =	shalt  }
0x78: {  	_ =	shalt  }
0x79: {  	_ =	shalt  }
0x7a: {  	_ =	shalt  }
0x7b: {  	_ =	shalt  }
0x7c: {  	_ =	shalt  }
0x7d: {  	_ =	shalt  }
0x7e: {  	_ =	shalt  }
0x7f: {  	_ =	shalt  }
0x80: {  	_ =	shalt  }
0x81: {  	_ =	shalt  }
0x82: {  	_ =	shalt  }
0x83: {  	_ =	shalt  }
0x84: {  	_ =	shalt  }
0x85: {  	_ =	shalt  }
0x86: {  	_ =	shalt  }
0x87: {  	_ =	shalt  }
.Lfunc_end0:
.L_simem_size_0:
called_computation.1_lowered:
.L_overlay_start_0:
0x88: {  	s2 =	sld [smem:$0x3FD9]  }
0x89: {  	s3 =	sld [smem:$0x3FFE];
	_ =	sdelay $0x1  }
0x8a: {  	s1 =	srdreg.scid  }
0x8b: {  	s0 =	sand.u32 $0x1, s1  }
0x8c: {  	s17 =	sshll.u32 s0, $0xA;
	s2 =	sadd.s32 s3, s2  }
0x8d: {  	s2 =	sadd.s32 s2, s17  }
0x8e: {  	[smem:$0x3FBA] =	sst s2  }
0x8f: {  	_ = 	snop  }
0x90: {  	s18 =	sld [smem:$0x3FC8];
	(tm) =	ssettm $0x1  }
0x91: {  	s19 =	sld [smem:$0x3FFB];
	_ =	sdelay $0x3  }
0x92: {  	_ =	strace s19  }
0x93: {  	s2 =	sld [smem:$0x3FFC];
	_ =	sdelay $0x3  }
0x94: {  	_ =	strace s2  }
0x95: {  	s2 =	sld [smem:$0x3FFD];
	_ =	sdelay $0x3  }
0x96: {  	_ =	strace s2  }
0x97: {  	_ =	strace $0x8FFFFFFF  }
0x98: {  	s20 =	sld [smem:$0x3FDB];
	_ =	sdelay $0x1  }
0x99: {  	s4 =	simm.s32 $_scs_section_size  }
0x9a: {  	s5 =	simm.s32 $_size__tile_overlayer_lowered;
	s6 =	simm.s32 $_tile_overlayer_lowered  }
0x9b: {  	s7 =	simm.s32 $0x1BFF;
	s21 =	sshll.u32 s6, $0x1;
	s4 =	sadd.s32 s4, s20  }
0x9c: {  	s22 =	simm.s32 $0x0;
	s5 =	sshll.u32 s5, $0x1;
	s6 =	sadd.s32 s21, s4  }
0x9d: {  	[timem:s22], [sflag:s7] =	dma.local [hbm:s6], s5  }
0x9e: {  	_ =	swait.ge [sflag:s7], s5  }
0x9f: {  	s5 =	ssub.s32 $0x0, s5;
	[sflag:s7] =	ssyncset.done $0x0  }
0xa0: {  	[sflag:s7] =	ssyncadd.s32 s5;
	_ =	sdelay $0x1  }
0xa1: {  	s23 =	simm.s32 $0x1B8B  }
0xa2: {  	_ =	swait.ge [sflag:s23], $0x1  }
0xa3: {  	[sflag:s23] =	ssyncset.done $0x0  }
0xa4: {  	[sflag:s23] =	ssyncadd.s32 $0xFFFFFFFF  }
0xa5: {  	s5 =	sld [smem:$0x0]  }
0xa6: {  	s6 =	sand.u32 $0xFFFFFFFE, s1  }
0xa7: {  	p0 =	sne.s32 s1, s6  }
0xa8: {  	s6 =	sshll.u32 @p0 s6, $0xE  }
0xa9: {  	s6 =	sadd.s32 @p0 $0x11B8D, s6;
	s7 =	sshll.u32 @p0 s5, $0x11  }
0xaa: {  	s6 =	sor.u32 @p0 s7, s6  }
0xab: {  	[sflag:s6] =	ssyncadd.remote.s32 @p0 $0x1;
	_ =	sdelay $0x1  }
0xac: {  	s6 =	simm.s32 @p0 $0x1B8D  }
0xad: {  	_ =	swait.eq @p0 [sflag:s6], $0x1  }
0xae: {  	[sflag:s6] =	ssyncadd.s32 @p0 $0xFFFFFFFF  }
0xaf: {  	s7 =	sshll.u32 @!p0 s1, $0xE  }
0xb0: {  	s7 =	sor.u32 @!p0 $0x4000, s7;
	s6 =	simm.s32 @!p0 $0x1B8D  }
0xb1: {  	s5 =	sshll.u32 @!p0 s5, $0x11;
	s7 =	sadd.s32 @!p0 $0x11B8D, s7;
	_ =	swait.eq @!p0 [sflag:s6], $0x1  }
0xb2: {  	s5 =	sor.u32 @!p0 s5, s7;
	[sflag:s6] =	ssyncadd.s32 @!p0 $0xFFFFFFFF  }
0xb3: {  	s25 =	simm.s32 $0x1B8E;
	s24 =	sld [smem:$0x3FFE];
	[sflag:s5] =	ssyncadd.remote.s32 @!p0 $0x1  }
0xb4: {  	s26 =	simm.s32 $execute0_lowered;
	[smem:$0x3FD2] =	sst s25  }
0xb5: {  	s6 =	sshll.u32 s26, $0x1;
	_ =	strace $0x80000049;
	[dreg:$0x1] =	wrdreg $0xFFFFFFFF  }
0xb6: {  	s28 =	simm.s32 $_size_execute0_lowered;
	s4 =	sadd.s32 s4, s6;
	[dreg:$0x0] =	wrdreg $0x0  }
0xb7: {  	s6 =	sshll.u32 s28, $0x1;
	[dreg:$0x2] =	wrdreg s4  }
0xb8: {  	[dreg:$0x3] =	wrdreg s6  }
0xb9: {  	[dreg:$0x4] =	wrdreg $0xC0  }
0xba: {  	_ =	task [dreg:s22], $0x5FFFF  }
0xbb: {  	[dreg:$0x1] =	wrdreg $0xFFFFFFFF  }
0xbc: {  	[dreg:$0x0] =	wrdreg $0x60  }
0xbd: {  	[dreg:$0x2] =	wrdreg s18  }
0xbe: {  	[dreg:$0x3] =	wrdreg s24  }
0xbf: {  	[dreg:$0x4] =	wrdreg $0xA  }
0xc0: {  	_ =	task.clear_ibuf [dreg:s22], $0x5FFFF;
	_ =	strace $0x90000049  }
0xc1: {  	s29 =	simm.s32 $0xA;
	_ =	strace $0x8000004B  }
0xc2: {  	_ =	swait.ge [sflag:s29], $0x1  }
0xc3: {  	[sflag:s29] =	ssyncadd.s32 $0xFFFFFFFF  }
0xc4: {  	_ =	strace $0x9000004B  }
0xc5: {  	_ =	sfence  }
0xc6: {  	s30 =	sld [smem:$0x0];
	_ =	sdelay $0x2  }
0xc7: {  	s31 =	sshll.u32 s1, $0xD;
	s1 =	sshrl.u32 s1, $0x2  }
0xc8: {  	s4 =	sand.u32 $0x4000, s31;
	s1 =	sadd.s32 s1, s30  }
0xc9: {  	s0 =	sor.u32 s4, s0;
	s1 =	sshll.u32 s1, $0x11  }
0xca: {  	s0 =	sor.u32 s1, s0  }
0xcb: {  	s0 =	sadd.s32 $0x8F2B, s0  }
0xcc: {  	[sflag:s0] =	ssyncadd.remote.s32 $0x1  }
0xcd: {  	_ =	sfence.sel $0xFFFF  }
0xce: {  	[dreg:$0x0] =	wrdreg $0xFFFFFFFF;
	(pc) =	sbr.abs _section_cstart, $3  }
0xcf: {  	[dreg:$0x1] =	wrdreg $0xFFFFFFFF  }
0xd0: {  	_ =	task.clear_ibuf [dreg:s22], $0x2FFFF;
	_ =	strace $0x9FFFFFFF  }
0xd1: {  	(tm) =	ssettm $0x7FFFFFFF  }
tec
execute0_lowered:
.L_overlay_start_1:
0x0: {  	(tag) =	ssettag $0x1  }
0x1: {  	s1 =	srdreg.scid  }
0x2: {  	s5 =	rddreg [dreg:$0x0];
	s0 =	stileid.u32;
	s12 =	sand.u32 $0x1, s1  }
0x3: {  	s11 =	rddreg [dreg:$0x1];
	s3 =	sshll.u32 s0, $0xA;
	s4 =	sshll.u32 s12, $0x9  }
0x4: {  	s2 =	simm.s32 $0x0;
	s1 =	rddreg [dreg:$0x2];
	s13 =	sor.u32 s4, s3  }
0x5: {  	[smem:$0x7FF] =	sst s2;
	s3 =	sshrl.u32 s13, $0x3  }
0x6: {  	_ =	strace $0x8000004A;
	s4 =	simm.s32 $0x3;
	s3 =	sadd.s32 s5, s3  }
0x7: {  	[tilespmem:s2], [sflag:$0x3] =	stream.linear.gather [hbm4b:s3+s2], $0x100, $0x38;
	[tilespmem:$0x10200] =	vst v63  }
0x8: {  	s14 =	sor.u32 $0x100, s13;
	_ =	swait.ge [sflag:s4], $0x100  }
0x9: {  	s6 =	sshrl.u32 s14, $0x3;
	[sflag:s4] =	ssyncset.done $0x0  }
0xa: {  	s5 =	sadd.s32 s5, s6;
	s6 =	simm.s32 $0x100;
	[sflag:s4] =	ssyncadd.s32 $0xFFFFFF00  }
0xb: {  	[tilespmem:s6], [sflag:$0x3] =	stream.linear.gather [hbm4b:s5+s2], $0x100, $0x38;
	[tilespmem:$0x10200] =	vst v63  }
0xc: {  	_ =	swait.ge [sflag:s4], $0x100  }
0xd: {  	[sflag:s4] =	ssyncset.done $0x0  }
0xe: {  	s8 =	simm.s32 $0x200;
	s7 =	sadd.s32 $0x1A00, s11;
	[sflag:s4] =	ssyncadd.s32 $0xFFFFFF00  }
0xf: {  	[tilespmem:s8], [sflag:$0x1] =	stream.indirect.gather [hbm4b:s7+s6], $0x80, s2, s6, $0xb8;
	[tilespmem:$0x10200] =	vst v63  }
0x10: {  	s9 =	simm.s32 $0x8200;
	s10 =	simm.s32 $0x1  }
0x11: {  	[tilespmem:s9], [sflag:$0x1] =	stream.indirect.gather [hbm4b:s7+s6], $0x80, s6, s6, $0xb8;
	[tilespmem:$0x10200] =	vst v63  }
0x12: {  	_ =	swait.ge [sflag:s10], $0x8000  }
0x13: {  	[sflag:s10] =	ssyncset.done $0x0  }
0x14: {  	s15 =	sadd.s32 $0xF83E00, s11;
	s30 =	ssub.s32 $0x2, s12;
	[sflag:s10] =	ssyncadd.s32 $0xFFFF8000  }
0x15: {  	s31 =	sshrl.u32 s30, $0x1;
	s28 =	sshll.u32 s13, $0x4;
	_ =	swait.ge [sflag:s10], $0x8000  }
0x16: {  	s29 =	sshll.u32 s14, $0x4;
	s14 =	ssub.s32 s30, s31;
	[sflag:s10] =	ssyncset.done $0x0  }
0x17: {  	s11 =	sadd.s32 s15, s28;
	s14 =	smax.u32 s14, $0x1;
	[sflag:s10] =	ssyncadd.s32 $0xFFFF8000  }
0x18: {  	[hbm4b:s11+s2] =	stream.linear.scatter [tilespmem:s8], [sflag:$0x2], $0x8000, $0x38;
	[tilespmem:$0x10200] =	vst v63  }
0x19: {  	s12 =	simm.s32 $0x2;
	s13 =	sadd.s32 s15, s29;
	p0 =	sne.s32 s14, $0x1  }
0x1a: {  	[hbm4b:s13+s2] =	stream.linear.scatter [tilespmem:s9], [sflag:$0x2], $0x8000, $0x38;
	[tilespmem:$0x10200] =	vst v63  }
.Ltmp0:
0x1b: {  	_ =	swait.ge [sflag:s12], $0x8000;
	(pc) =	sbr.rel @!p0 .LBB2_2-.Ltmp0, $4  }
0x1c: {  	[sflag:s12] =	ssyncset.done $0x0  }
0x1d: {  	[sflag:s12] =	ssyncadd.s32 $0xFFFF8000  }
0x1e: {  	_ =	swait.ge [sflag:s12], $0x8000  }
0x1f: {  	s14 =	sadd.s32 $0xFFFFFFFF, s14;
	[sflag:s12] =	ssyncset.done $0x0  }
.LBB2_1:
0x20: {  	p0 =	sne.s32 s14, $0x1;
	s14 =	sadd.s32 $0xFFFFFFFF, s14;
	[sflag:s12] =	ssyncadd.s32 $0xFFFF8000  }
0x21: {  	[tilespmem:s2], [sflag:$0x3] =	stream.linear.gather [hbm4b:s3+s2], $0x100, $0x38;
	[tilespmem:$0x10200] =	vst v63  }
0x22: {  	_ =	swait.ge [sflag:s4], $0x100  }
0x23: {  	[sflag:s4] =	ssyncset.done $0x0  }
0x24: {  	[sflag:s4] =	ssyncadd.s32 $0xFFFFFF00  }
0x25: {  	[tilespmem:s6], [sflag:$0x3] =	stream.linear.gather [hbm4b:s5+s2], $0x100, $0x38;
	[tilespmem:$0x10200] =	vst v63  }
0x26: {  	_ =	swait.ge [sflag:s4], $0x100  }
0x27: {  	[sflag:s4] =	ssyncset.done $0x0  }
0x28: {  	[sflag:s4] =	ssyncadd.s32 $0xFFFFFF00  }
0x29: {  	[tilespmem:s8], [sflag:$0x1] =	stream.indirect.gather [hbm4b:s7+s6], $0x80, s2, s6, $0xb8;
	[tilespmem:$0x10200] =	vst v63  }
0x2a: {  	_ = 	snop  }
0x2b: {  	[tilespmem:s9], [sflag:$0x1] =	stream.indirect.gather [hbm4b:s7+s6], $0x80, s6, s6, $0xb8;
	[tilespmem:$0x10200] =	vst v63  }
0x2c: {  	_ =	swait.ge [sflag:s10], $0x8000  }
0x2d: {  	[sflag:s10] =	ssyncset.done $0x0  }
0x2e: {  	[sflag:s10] =	ssyncadd.s32 $0xFFFF8000  }
0x2f: {  	_ =	swait.ge [sflag:s10], $0x8000  }
0x30: {  	[sflag:s10] =	ssyncset.done $0x0  }
0x31: {  	[sflag:s10] =	ssyncadd.s32 $0xFFFF8000  }
0x32: {  	[hbm4b:s11+s2] =	stream.linear.scatter [tilespmem:s8], [sflag:$0x2], $0x8000, $0x38;
	[tilespmem:$0x10200] =	vst v63  }
0x33: {  	_ = 	snop  }
0x34: {  	[hbm4b:s13+s2] =	stream.linear.scatter [tilespmem:s9], [sflag:$0x2], $0x8000, $0x38;
	[tilespmem:$0x10200] =	vst v63  }
.Ltmp1:
0x35: {  	_ =	swait.ge [sflag:s12], $0x8000;
	(pc) =	sbr.rel @p0 .LBB2_1-.Ltmp1, $4  }
0x36: {  	[sflag:s12] =	ssyncset.done $0x0  }
0x37: {  	[sflag:s12] =	ssyncadd.s32 $0xFFFF8000  }
0x38: {  	_ =	swait.ge [sflag:s12], $0x8000  }
0x39: {  	[sflag:s12] =	ssyncset.done $0x0  }
.LBB2_2:
0x3a: {  	[sflag:s12] =	ssyncadd.s32 $0xFFFF8000  }
0x3b: {  	_ =	sfence.sel $0x180000  }
0x3c: {  	[bflag:$0x0] =	sbarrier.arrive $0xFFFF  }
0x3d: {  	p0 =	sne.s32 s0, $0x0;
	_ =	strace $0x9000004A  }
0x3e: {  	s0 =	sadd.s32 @!p0 $0x100000, s1;
	[bflag:$0x2] =	sbarrier.arrive $0xFFFF  }
0x3f: {  	[sflag:s0] =	ssyncadd.tile.s32 @!p0 $0x1;
	_ =	shalt  }
.Lfunc_end2:
_tile_overlayer_lowered:
.L_overlay_start_2:
0x40: {  	(tag) =	ssettag $0x2  }
0x41: {  	s0 =	rddreg [dreg:$0x0];
	s2 =	stileid.u32  }
0x42: {  	s1 =	rddreg [dreg:$0x1];
	p0 =	sne.s32 s2, $0x0  }
0x43: {  	s3 =	rddreg [dreg:$0x2];
	[bflag:$0x3] =	sbarrier.arrive $0xFFFF;
	s2 =	simm.s32 @!p0 $0x1C03  }
0x44: {  	[timem:s3], [sflag:s2] =	dma.local @!p0 [hbm:s0], s1  }
0x45: {  	s0 =	simm.s32 @!p0 $0x3  }
0x46: {  	_ =	swait.ge @!p0 [sflag:s0], s1  }
0x47: {  	s1 =	ssub.s32 @!p0 $0x0, s1;
	[sflag:s0] =	ssyncset.done @!p0 $0x0  }
0x48: {  	[sflag:s0] =	ssyncadd.s32 @!p0 s1  }
0x49: {  	[bflag:$0x3] =	sbarrier.arrive $0xFFFF  }
0x4a: {  	_ =	shalt  }

</sc_bundles>
